<compile_context>
chip_gen: v7x
topology: tpu7x:2x2x1
jax: 0.10.2.dev20260603
libtpu: 0.0.44.dev20260713+nightly
codegen_flags: <defaults>
</compile_context>

<pallas_src>
import jax
import jax.numpy as jnp
from jax import lax
from jax.experimental import pallas as pl
from jax.experimental.pallas import tpu as pltpu
from jax.experimental.pallas import tpu_sc as plsc

VOCAB = 100000
EMBD = 128
B = 4096
L = 50

NC = 2
NS = 16
NW = NC * NS

BW = B // NW
NR = 5
LA = 4


def _embed_kernel(xt_hbm, table_hbm, out_hbm, idx_v, rows_v, gsem, ssem):
    wid = lax.axis_index("s") * NC + lax.axis_index("c")
    b0 = wid * BW
    pltpu.sync_copy(xt_hbm.at[:, pl.ds(b0, BW)], idx_v)

    def start_gather(g, b):
        pltpu.async_copy(table_hbm.at[idx_v.at[g]], rows_v.at[b], gsem.at[b])

    def wait_gather(g, b):
        pltpu.make_async_copy(
            table_hbm.at[idx_v.at[g]], rows_v.at[b], gsem.at[b]
        ).wait()

    def _store_desc(g, b):
        return pltpu.make_async_copy(
            rows_v.at[b], out_hbm.at[g, pl.ds(b0, BW)], ssem.at[b]
        )

    def start_store(g, b):
        _store_desc(g, b).start()

    def wait_store(g, b):
        _store_desc(g, b).wait()

    for b in range(LA):
        start_gather(b, b)

    for b in range(NR):
        g = b
        wait_gather(g, b)
        start_store(g, b)
        h, hb = g + LA, (b + LA) % NR
        if h >= NR:
            wait_store(h - NR, hb)
        start_gather(h, hb)

    @pl.loop(NR, L - NR, step=NR)
    def _pass(g0):
        for b in range(NR):
            g = g0 + b
            wait_gather(g, b)
            start_store(g, b)
            h, hb = g + LA, (b + LA) % NR
            wait_store(h - NR, hb)
            start_gather(h, hb)

    for b in range(NR):
        g = L - NR + b
        wait_gather(g, b)
        start_store(g, b)
        h, hb = g + LA, (b + LA) % NR
        if h < L:
            wait_store(h - NR, hb)
            start_gather(h, hb)

    for b in range(NR):
        wait_store(L - NR + b, b)


@jax.jit
def _embed(x, table):
    xt = jnp.swapaxes(x, 0, 1)
    mesh = plsc.VectorSubcoreMesh(
        core_axis_name="c", subcore_axis_name="s", num_cores=NC,
        num_subcores=NS,
    )
    out = pl.kernel(
        _embed_kernel,
        out_type=jax.ShapeDtypeStruct((L, B, EMBD), jnp.float32),
        mesh=mesh,
        scratch_types=[
            pltpu.VMEM((L, BW), jnp.int32),
            pltpu.VMEM((NR, BW, EMBD), jnp.float32),
            pltpu.SemaphoreType.DMA((NR,)),
            pltpu.SemaphoreType.DMA((NR,)),
        ],
    )(xt, table)
    return jnp.swapaxes(out, 0, 1)


def kernel(x, table):
    return _embed(x.astype(jnp.int32), table)

# --- scband reference (transcript-rebuilt; emitter-appended) ---
"""Pipeline reference for scband-word-embedding-20083267076142 (READ-ONLY COPY).

The authoritative reference and input builder live on the scoring server;
editing this copy changes nothing except your own understanding.
"""

import jax, jax.numpy as jnp
import numpy as np

VOCAB = 100000
EMBD = 128
B = 4096
L = 50

def setup_inputs(seed: int = 0) -> dict:
    key = jax.random.key(seed)
    k1, k2 = jax.random.split(key)
    x = jax.random.randint(k1, (B, L), 0, VOCAB, dtype=jnp.int64 if jax.config.jax_enable_x64 else jnp.int32)
    table = jax.random.normal(k2, (VOCAB, EMBD), dtype=jnp.float32) * 0.02
    return {"x": x, "table": table}

def reference(x, table):
    # nn.Embedding forward: gather rows of the embedding table by index
    return jnp.take(table, x, axis=0)

if __name__ == "__main__":
    import jax
    _d = setup_inputs()
    print(jax.jit(kernel)(*tuple(_d.values())))

</pallas_src>

<mosaic_0001>
#map = affine_map<(d0, d1) -> (0, 0)>
#map1 = affine_map<(d0, d1) -> (0, 0, 0)>
module attributes {stable_mosaic.version = 14 : i64} {
  func.func @_embed_kernel(%arg0: i32, %arg1: i32, %arg2: memref<50x4096xi32, #tpu.memory_space<hbm>>, %arg3: memref<100000x128xf32, #tpu.memory_space<hbm>>, %arg4: memref<50x4096x128xf32, #tpu.memory_space<hbm>>, %arg5: memref<50x128xi32, #tpu.memory_space<vmem>>, %arg6: memref<5x128x128xf32, #tpu.memory_space<vmem>>, %arg7: memref<5x!tpu.dma_semaphore, #tpu.memory_space<semaphore_mem>>, %arg8: memref<5x!tpu.dma_semaphore, #tpu.memory_space<semaphore_mem>>) attributes {dimension_semantics = [#tpu.dimension_semantics<core_parallel>, #tpu.dimension_semantics<subcore_parallel>], iteration_bounds = array<i64: 2, 16>, scalar_prefetch = 0 : i64, scratch_operands = 4 : i64, tpu.core_type = #tpu.core_type<sc_vector_subcore>, window_params = [{transform_indices = #map}, {transform_indices = #map}, {transform_indices = #map1}]} {
    %mul3A = arith.constant 2 : i32
    %mul3A_0 = arith.muli %arg1, %mul3A : i32
    %add3A = arith.addi %mul3A_0, %arg0 : i32
    %mul3A_1 = arith.constant 128 : i32
    %mul3A_2 = arith.muli %add3A, %mul3A_1 : i32
    "tpu.region"() ({
      %run_scoped3A = tpu.sem_alloc : memref<!tpu.dma_semaphore, #tpu.memory_space<semaphore_mem>>
      %dma_start3A_685 = arith.constant 0 : i32
      %dma_start3A_686 = tpu.memref_slice %arg2[%dma_start3A_685, %mul3A_2] : memref<50x4096xi32, #tpu.memory_space<hbm>> -> memref<50x128xi32, #tpu.memory_space<hbm>>
      %dma_start3A_687 = arith.constant 0 : i32
      %dma_start3A_688 = tpu.memref_slice %arg2[%dma_start3A_687, %mul3A_2] : memref<50x4096xi32, #tpu.memory_space<hbm>> -> memref<50x128xi32, #tpu.memory_space<hbm>>
      tpu.enqueue_dma source(%dma_start3A_688 : memref<50x128xi32, #tpu.memory_space<hbm>>) target(%arg5 : memref<50x128xi32, #tpu.memory_space<vmem>>) target_semaphore(%run_scoped3A : memref<!tpu.dma_semaphore, #tpu.memory_space<semaphore_mem>>)
      %dma_wait3A_689 = arith.constant 0 : i32
      %dma_wait3A_690 = tpu.memref_slice %arg2[%dma_wait3A_689, %mul3A_2] : memref<50x4096xi32, #tpu.memory_space<hbm>> -> memref<50x128xi32, #tpu.memory_space<hbm>>
      %dma_wait3A_691 = arith.constant 0 : i32
      %dma_wait3A_692 = tpu.memref_slice %arg2[%dma_wait3A_691, %mul3A_2] : memref<50x4096xi32, #tpu.memory_space<hbm>> -> memref<50x128xi32, #tpu.memory_space<hbm>>
      tpu.wait_dma2 semaphore(%run_scoped3A : memref<!tpu.dma_semaphore, #tpu.memory_space<semaphore_mem>>) src(%dma_wait3A_692 : memref<50x128xi32, #tpu.memory_space<hbm>>) dst(%arg5 : memref<50x128xi32, #tpu.memory_space<vmem>>)
      tpu.yield
    }) : () -> ()
    %dma_start3A = arith.constant 0 : i32
    %dma_start3A_3 = arith.constant 0 : i32
    %dma_start3A_4 = arith.constant 0 : i32
    %dma_start3A_5 = arith.constant 0 : i32
    %dma_start3A_6 = arith.constant 0 : i32
    %dma_start3A_7 = tpu.memref_slice %arg6[%dma_start3A_3, %dma_start3A_5, %dma_start3A_6] : memref<5x128x128xf32, #tpu.memory_space<vmem>> -> memref<1x128x128xf32, #tpu.memory_space<vmem>>
    %dma_start3A_8 = tpu.memref_squeeze %dma_start3A_7 : memref<1x128x128xf32, #tpu.memory_space<vmem>> -> memref<128x128xf32, #tpu.memory_space<vmem>>
    %dma_start3A_9 = arith.constant 0 : i32
    %dma_start3A_10 = tpu.memref_slice %arg5[%dma_start3A, %dma_start3A_9] : memref<50x128xi32, #tpu.memory_space<vmem>> -> memref<1x128xi32, #tpu.memory_space<vmem>>
    %dma_start3A_11 = tpu.memref_squeeze %dma_start3A_10 : memref<1x128xi32, #tpu.memory_space<vmem>> -> memref<128xi32, #tpu.memory_space<vmem>>
    %dma_start3A_12 = arith.constant 0 : i32
    %dma_start3A_13 = arith.constant 0 : i32
    %dma_start3A_14 = tpu.memref_slice %arg3[%dma_start3A_12, %dma_start3A_13] : memref<100000x128xf32, #tpu.memory_space<hbm>> -> memref<100000x128xf32, #tpu.memory_space<hbm>>
    %dma_start3A_15 = tpu.memref_slice %arg7[%dma_start3A_4] : memref<5x!tpu.dma_semaphore, #tpu.memory_space<semaphore_mem>> -> memref<1x!tpu.dma_semaphore, #tpu.memory_space<semaphore_mem>>
    %dma_start3A_16 = tpu.memref_squeeze %dma_start3A_15 : memref<1x!tpu.dma_semaphore, #tpu.memory_space<semaphore_mem>> -> memref<!tpu.dma_semaphore, #tpu.memory_space<semaphore_mem>>
    tpu.enqueue_indirect_dma source(%dma_start3A_14 : memref<100000x128xf32, #tpu.memory_space<hbm>>) target(%dma_start3A_8 : memref<128x128xf32, #tpu.memory_space<vmem>>) offsets(%dma_start3A_11 : memref<128xi32, #tpu.memory_space<vmem>>) semaphore(%dma_start3A_16 : memref<!tpu.dma_semaphore, #tpu.memory_space<semaphore_mem>>)
    %dma_start3A_17 = arith.constant 1 : i32
    %dma_start3A_18 = arith.constant 1 : i32
    %dma_start3A_19 = arith.constant 1 : i32
    %dma_start3A_20 = arith.constant 0 : i32
    %dma_start3A_21 = arith.constant 0 : i32
    %dma_start3A_22 = tpu.memref_slice %arg6[%dma_start3A_18, %dma_start3A_20, %dma_start3A_21] : memref<5x128x128xf32, #tpu.memory_space<vmem>> -> memref<1x128x128xf32, #tpu.memory_space<vmem>>
    %dma_start3A_23 = tpu.memref_squeeze %dma_start3A_22 : memref<1x128x128xf32, #tpu.memory_space<vmem>> -> memref<128x128xf32, #tpu.memory_space<vmem>>
    %dma_start3A_24 = arith.constant 0 : i32
    %dma_start3A_25 = tpu.memref_slice %arg5[%dma_start3A_17, %dma_start3A_24] : memref<50x128xi32, #tpu.memory_space<vmem>> -> memref<1x128xi32, #tpu.memory_space<vmem>>
    %dma_start3A_26 = tpu.memref_squeeze %dma_start3A_25 : memref<1x128xi32, #tpu.memory_space<vmem>> -> memref<128xi32, #tpu.memory_space<vmem>>
    %dma_start3A_27 = arith.constant 0 : i32
    %dma_start3A_28 = arith.constant 0 : i32
    %dma_start3A_29 = tpu.memref_slice %arg3[%dma_start3A_27, %dma_start3A_28] : memref<100000x128xf32, #tpu.memory_space<hbm>> -> memref<100000x128xf32, #tpu.memory_space<hbm>>
    %dma_start3A_30 = tpu.memref_slice %arg7[%dma_start3A_19] : memref<5x!tpu.dma_semaphore, #tpu.memory_space<semaphore_mem>> -> memref<1x!tpu.dma_semaphore, #tpu.memory_space<semaphore_mem>>
    %dma_start3A_31 = tpu.memref_squeeze %dma_start3A_30 : memref<1x!tpu.dma_semaphore, #tpu.memory_space<semaphore_mem>> -> memref<!tpu.dma_semaphore, #tpu.memory_space<semaphore_mem>>
    tpu.enqueue_indirect_dma source(%dma_start3A_29 : memref<100000x128xf32, #tpu.memory_space<hbm>>) target(%dma_start3A_23 : memref<128x128xf32, #tpu.memory_space<vmem>>) offsets(%dma_start3A_26 : memref<128xi32, #tpu.memory_space<vmem>>) semaphore(%dma_start3A_31 : memref<!tpu.dma_semaphore, #tpu.memory_space<semaphore_mem>>)
    %dma_start3A_32 = arith.constant 2 : i32
    %dma_start3A_33 = arith.constant 2 : i32
    %dma_start3A_34 = arith.constant 2 : i32
    %dma_start3A_35 = arith.constant 0 : i32
    %dma_start3A_36 = arith.constant 0 : i32
    %dma_start3A_37 = tpu.memref_slice %arg6[%dma_start3A_33, %dma_start3A_35, %dma_start3A_36] : memref<5x128x128xf32, #tpu.memory_space<vmem>> -> memref<1x128x128xf32, #tpu.memory_space<vmem>>
    %dma_start3A_38 = tpu.memref_squeeze %dma_start3A_37 : memref<1x128x128xf32, #tpu.memory_space<vmem>> -> memref<128x128xf32, #tpu.memory_space<vmem>>
    %dma_start3A_39 = arith.constant 0 : i32
    %dma_start3A_40 = tpu.memref_slice %arg5[%dma_start3A_32, %dma_start3A_39] : memref<50x128xi32, #tpu.memory_space<vmem>> -> memref<1x128xi32, #tpu.memory_space<vmem>>
    %dma_start3A_41 = tpu.memref_squeeze %dma_start3A_40 : memref<1x128xi32, #tpu.memory_space<vmem>> -> memref<128xi32, #tpu.memory_space<vmem>>
    %dma_start3A_42 = arith.constant 0 : i32
    %dma_start3A_43 = arith.constant 0 : i32
    %dma_start3A_44 = tpu.memref_slice %arg3[%dma_start3A_42, %dma_start3A_43] : memref<100000x128xf32, #tpu.memory_space<hbm>> -> memref<100000x128xf32, #tpu.memory_space<hbm>>
    %dma_start3A_45 = tpu.memref_slice %arg7[%dma_start3A_34] : memref<5x!tpu.dma_semaphore, #tpu.memory_space<semaphore_mem>> -> memref<1x!tpu.dma_semaphore, #tpu.memory_space<semaphore_mem>>
    %dma_start3A_46 = tpu.memref_squeeze %dma_start3A_45 : memref<1x!tpu.dma_semaphore, #tpu.memory_space<semaphore_mem>> -> memref<!tpu.dma_semaphore, #tpu.memory_space<semaphore_mem>>
    tpu.enqueue_indirect_dma source(%dma_start3A_44 : memref<100000x128xf32, #tpu.memory_space<hbm>>) target(%dma_start3A_38 : memref<128x128xf32, #tpu.memory_space<vmem>>) offsets(%dma_start3A_41 : memref<128xi32, #tpu.memory_space<vmem>>) semaphore(%dma_start3A_46 : memref<!tpu.dma_semaphore, #tpu.memory_space<semaphore_mem>>)
    %dma_start3A_47 = arith.constant 3 : i32
    %dma_start3A_48 = arith.constant 3 : i32
    %dma_start3A_49 = arith.constant 3 : i32
    %dma_start3A_50 = arith.constant 0 : i32
    %dma_start3A_51 = arith.constant 0 : i32
    %dma_start3A_52 = tpu.memref_slice %arg6[%dma_start3A_48, %dma_start3A_50, %dma_start3A_51] : memref<5x128x128xf32, #tpu.memory_space<vmem>> -> memref<1x128x128xf32, #tpu.memory_space<vmem>>
    %dma_start3A_53 = tpu.memref_squeeze %dma_start3A_52 : memref<1x128x128xf32, #tpu.memory_space<vmem>> -> memref<128x128xf32, #tpu.memory_space<vmem>>
    %dma_start3A_54 = arith.constant 0 : i32
    %dma_start3A_55 = tpu.memref_slice %arg5[%dma_start3A_47, %dma_start3A_54] : memref<50x128xi32, #tpu.memory_space<vmem>> -> memref<1x128xi32, #tpu.memory_space<vmem>>
    %dma_start3A_56 = tpu.memref_squeeze %dma_start3A_55 : memref<1x128xi32, #tpu.memory_space<vmem>> -> memref<128xi32, #tpu.memory_space<vmem>>
    %dma_start3A_57 = arith.constant 0 : i32
    %dma_start3A_58 = arith.constant 0 : i32
    %dma_start3A_59 = tpu.memref_slice %arg3[%dma_start3A_57, %dma_start3A_58] : memref<100000x128xf32, #tpu.memory_space<hbm>> -> memref<100000x128xf32, #tpu.memory_space<hbm>>
    %dma_start3A_60 = tpu.memref_slice %arg7[%dma_start3A_49] : memref<5x!tpu.dma_semaphore, #tpu.memory_space<semaphore_mem>> -> memref<1x!tpu.dma_semaphore, #tpu.memory_space<semaphore_mem>>
    %dma_start3A_61 = tpu.memref_squeeze %dma_start3A_60 : memref<1x!tpu.dma_semaphore, #tpu.memory_space<semaphore_mem>> -> memref<!tpu.dma_semaphore, #tpu.memory_space<semaphore_mem>>
    tpu.enqueue_indirect_dma source(%dma_start3A_59 : memref<100000x128xf32, #tpu.memory_space<hbm>>) target(%dma_start3A_53 : memref<128x128xf32, #tpu.memory_space<vmem>>) offsets(%dma_start3A_56 : memref<128xi32, #tpu.memory_space<vmem>>) semaphore(%dma_start3A_61 : memref<!tpu.dma_semaphore, #tpu.memory_space<semaphore_mem>>)
    %dma_wait3A = arith.constant 0 : i32
    %dma_wait3A_62 = arith.constant 0 : i32
    %dma_wait3A_63 = arith.constant 0 : i32
    %dma_wait3A_64 = arith.constant 0 : i32
    %dma_wait3A_65 = arith.constant 0 : i32
    %dma_wait3A_66 = tpu.memref_slice %arg6[%dma_wait3A_62, %dma_wait3A_64, %dma_wait3A_65] : memref<5x128x128xf32, #tpu.memory_space<vmem>> -> memref<1x128x128xf32, #tpu.memory_space<vmem>>
    %dma_wait3A_67 = tpu.memref_squeeze %dma_wait3A_66 : memref<1x128x128xf32, #tpu.memory_space<vmem>> -> memref<128x128xf32, #tpu.memory_space<vmem>>
    %dma_wait3A_68 = arith.constant 0 : i32
    %dma_wait3A_69 = tpu.memref_slice %arg5[%dma_wait3A, %dma_wait3A_68] : memref<50x128xi32, #tpu.memory_space<vmem>> -> memref<1x128xi32, #tpu.memory_space<vmem>>
    %dma_wait3A_70 = tpu.memref_squeeze %dma_wait3A_69 : memref<1x128xi32, #tpu.memory_space<vmem>> -> memref<128xi32, #tpu.memory_space<vmem>>
    %dma_wait3A_71 = arith.constant 0 : i32
    %dma_wait3A_72 = arith.constant 0 : i32
    %dma_wait3A_73 = tpu.memref_slice %arg3[%dma_wait3A_71, %dma_wait3A_72] : memref<100000x128xf32, #tpu.memory_space<hbm>> -> memref<100000x128xf32, #tpu.memory_space<hbm>>
    %dma_wait3A_74 = tpu.memref_slice %arg7[%dma_wait3A_63] : memref<5x!tpu.dma_semaphore, #tpu.memory_space<semaphore_mem>> -> memref<1x!tpu.dma_semaphore, #tpu.memory_space<semaphore_mem>>
    %dma_wait3A_75 = tpu.memref_squeeze %dma_wait3A_74 : memref<1x!tpu.dma_semaphore, #tpu.memory_space<semaphore_mem>> -> memref<!tpu.dma_semaphore, #tpu.memory_space<semaphore_mem>>
    tpu.wait_indirect_dma semaphore(%dma_wait3A_75 : memref<!tpu.dma_semaphore, #tpu.memory_space<semaphore_mem>>) src(%dma_wait3A_73 : memref<100000x128xf32, #tpu.memory_space<hbm>>) dst(%dma_wait3A_67 : memref<128x128xf32, #tpu.memory_space<vmem>>)
    %dma_start3A_76 = arith.constant 0 : i32
    %dma_start3A_77 = arith.constant 0 : i32
    %dma_start3A_78 = arith.constant 0 : i32
    %dma_start3A_79 = arith.constant 0 : i32
    %dma_start3A_80 = arith.constant 0 : i32
    %dma_start3A_81 = tpu.memref_slice %arg6[%dma_start3A_76, %dma_start3A_79, %dma_start3A_80] : memref<5x128x128xf32, #tpu.memory_space<vmem>> -> memref<1x128x128xf32, #tpu.memory_space<vmem>>
    %dma_start3A_82 = tpu.memref_squeeze %dma_start3A_81 : memref<1x128x128xf32, #tpu.memory_space<vmem>> -> memref<128x128xf32, #tpu.memory_space<vmem>>
    %dma_start3A_83 = arith.constant 0 : i32
    %dma_start3A_84 = tpu.memref_slice %arg4[%dma_start3A_77, %mul3A_2, %dma_start3A_83] : memref<50x4096x128xf32, #tpu.memory_space<hbm>> -> memref<1x128x128xf32, #tpu.memory_space<hbm>>
    %dma_start3A_85 = tpu.memref_squeeze %dma_start3A_84 : memref<1x128x128xf32, #tpu.memory_space<hbm>> -> memref<128x128xf32, #tpu.memory_space<hbm>>
    %dma_start3A_86 = tpu.memref_slice %arg8[%dma_start3A_78] : memref<5x!tpu.dma_semaphore, #tpu.memory_space<semaphore_mem>> -> memref<1x!tpu.dma_semaphore, #tpu.memory_space<semaphore_mem>>
    %dma_start3A_87 = tpu.memref_squeeze %dma_start3A_86 : memref<1x!tpu.dma_semaphore, #tpu.memory_space<semaphore_mem>> -> memref<!tpu.dma_semaphore, #tpu.memory_space<semaphore_mem>>
    %dma_start3A_88 = arith.constant 0 : i32
    %dma_start3A_89 = tpu.memref_slice %arg4[%dma_start3A_77, %mul3A_2, %dma_start3A_88] : memref<50x4096x128xf32, #tpu.memory_space<hbm>> -> memref<1x128x128xf32, #tpu.memory_space<hbm>>
    %dma_start3A_90 = tpu.memref_squeeze %dma_start3A_89 : memref<1x128x128xf32, #tpu.memory_space<hbm>> -> memref<128x128xf32, #tpu.memory_space<hbm>>
    %dma_start3A_91 = arith.constant 0 : i32
    %dma_start3A_92 = arith.constant 0 : i32
    %dma_start3A_93 = tpu.memref_slice %arg6[%dma_start3A_76, %dma_start3A_91, %dma_start3A_92] : memref<5x128x128xf32, #tpu.memory_space<vmem>> -> memref<1x128x128xf32, #tpu.memory_space<vmem>>
    %dma_start3A_94 = tpu.memref_squeeze %dma_start3A_93 : memref<1x128x128xf32, #tpu.memory_space<vmem>> -> memref<128x128xf32, #tpu.memory_space<vmem>>
    tpu.enqueue_dma source(%dma_start3A_94 : memref<128x128xf32, #tpu.memory_space<vmem>>) target(%dma_start3A_90 : memref<128x128xf32, #tpu.memory_space<hbm>>) target_semaphore(%dma_start3A_87 : memref<!tpu.dma_semaphore, #tpu.memory_space<semaphore_mem>>)
    %dma_start3A_95 = arith.constant 4 : i32
    %dma_start3A_96 = arith.constant 4 : i32
    %dma_start3A_97 = arith.constant 4 : i32
    %dma_start3A_98 = arith.constant 0 : i32
    %dma_start3A_99 = arith.constant 0 : i32
    %dma_start3A_100 = tpu.memref_slice %arg6[%dma_start3A_96, %dma_start3A_98, %dma_start3A_99] : memref<5x128x128xf32, #tpu.memory_space<vmem>> -> memref<1x128x128xf32, #tpu.memory_space<vmem>>
    %dma_start3A_101 = tpu.memref_squeeze %dma_start3A_100 : memref<1x128x128xf32, #tpu.memory_space<vmem>> -> memref<128x128xf32, #tpu.memory_space<vmem>>
    %dma_start3A_102 = arith.constant 0 : i32
    %dma_start3A_103 = tpu.memref_slice %arg5[%dma_start3A_95, %dma_start3A_102] : memref<50x128xi32, #tpu.memory_space<vmem>> -> memref<1x128xi32, #tpu.memory_space<vmem>>
    %dma_start3A_104 = tpu.memref_squeeze %dma_start3A_103 : memref<1x128xi32, #tpu.memory_space<vmem>> -> memref<128xi32, #tpu.memory_space<vmem>>
    %dma_start3A_105 = arith.constant 0 : i32
    %dma_start3A_106 = arith.constant 0 : i32
    %dma_start3A_107 = tpu.memref_slice %arg3[%dma_start3A_105, %dma_start3A_106] : memref<100000x128xf32, #tpu.memory_space<hbm>> -> memref<100000x128xf32, #tpu.memory_space<hbm>>
    %dma_start3A_108 = tpu.memref_slice %arg7[%dma_start3A_97] : memref<5x!tpu.dma_semaphore, #tpu.memory_space<semaphore_mem>> -> memref<1x!tpu.dma_semaphore, #tpu.memory_space<semaphore_mem>>
    %dma_start3A_109 = tpu.memref_squeeze %dma_start3A_108 : memref<1x!tpu.dma_semaphore, #tpu.memory_space<semaphore_mem>> -> memref<!tpu.dma_semaphore, #tpu.memory_space<semaphore_mem>>
    tpu.enqueue_indirect_dma source(%dma_start3A_107 : memref<100000x128xf32, #tpu.memory_space<hbm>>) target(%dma_start3A_101 : memref<128x128xf32, #tpu.memory_space<vmem>>) offsets(%dma_start3A_104 : memref<128xi32, #tpu.memory_space<vmem>>) semaphore(%dma_start3A_109 : memref<!tpu.dma_semaphore, #tpu.memory_space<semaphore_mem>>)
    %dma_wait3A_110 = arith.constant 1 : i32
    %dma_wait3A_111 = arith.constant 1 : i32
    %dma_wait3A_112 = arith.constant 1 : i32
    %dma_wait3A_113 = arith.constant 0 : i32
    %dma_wait3A_114 = arith.constant 0 : i32
    %dma_wait3A_115 = tpu.memref_slice %arg6[%dma_wait3A_111, %dma_wait3A_113, %dma_wait3A_114] : memref<5x128x128xf32, #tpu.memory_space<vmem>> -> memref<1x128x128xf32, #tpu.memory_space<vmem>>
    %dma_wait3A_116 = tpu.memref_squeeze %dma_wait3A_115 : memref<1x128x128xf32, #tpu.memory_space<vmem>> -> memref<128x128xf32, #tpu.memory_space<vmem>>
    %dma_wait3A_117 = arith.constant 0 : i32
    %dma_wait3A_118 = tpu.memref_slice %arg5[%dma_wait3A_110, %dma_wait3A_117] : memref<50x128xi32, #tpu.memory_space<vmem>> -> memref<1x128xi32, #tpu.memory_space<vmem>>
    %dma_wait3A_119 = tpu.memref_squeeze %dma_wait3A_118 : memref<1x128xi32, #tpu.memory_space<vmem>> -> memref<128xi32, #tpu.memory_space<vmem>>
    %dma_wait3A_120 = arith.constant 0 : i32
    %dma_wait3A_121 = arith.constant 0 : i32
    %dma_wait3A_122 = tpu.memref_slice %arg3[%dma_wait3A_120, %dma_wait3A_121] : memref<100000x128xf32, #tpu.memory_space<hbm>> -> memref<100000x128xf32, #tpu.memory_space<hbm>>
    %dma_wait3A_123 = tpu.memref_slice %arg7[%dma_wait3A_112] : memref<5x!tpu.dma_semaphore, #tpu.memory_space<semaphore_mem>> -> memref<1x!tpu.dma_semaphore, #tpu.memory_space<semaphore_mem>>
    %dma_wait3A_124 = tpu.memref_squeeze %dma_wait3A_123 : memref<1x!tpu.dma_semaphore, #tpu.memory_space<semaphore_mem>> -> memref<!tpu.dma_semaphore, #tpu.memory_space<semaphore_mem>>
    tpu.wait_indirect_dma semaphore(%dma_wait3A_124 : memref<!tpu.dma_semaphore, #tpu.memory_space<semaphore_mem>>) src(%dma_wait3A_122 : memref<100000x128xf32, #tpu.memory_space<hbm>>) dst(%dma_wait3A_116 : memref<128x128xf32, #tpu.memory_space<vmem>>)
    %dma_start3A_125 = arith.constant 1 : i32
    %dma_start3A_126 = arith.constant 1 : i32
    %dma_start3A_127 = arith.constant 1 : i32
    %dma_start3A_128 = arith.constant 0 : i32
    %dma_start3A_129 = arith.constant 0 : i32
    %dma_start3A_130 = tpu.memref_slice %arg6[%dma_start3A_125, %dma_start3A_128, %dma_start3A_129] : memref<5x128x128xf32, #tpu.memory_space<vmem>> -> memref<1x128x128xf32, #tpu.memory_space<vmem>>
    %dma_start3A_131 = tpu.memref_squeeze %dma_start3A_130 : memref<1x128x128xf32, #tpu.memory_space<vmem>> -> memref<128x128xf32, #tpu.memory_space<vmem>>
    %dma_start3A_132 = arith.constant 0 : i32
    %dma_start3A_133 = tpu.memref_slice %arg4[%dma_start3A_126, %mul3A_2, %dma_start3A_132] : memref<50x4096x128xf32, #tpu.memory_space<hbm>> -> memref<1x128x128xf32, #tpu.memory_space<hbm>>
    %dma_start3A_134 = tpu.memref_squeeze %dma_start3A_133 : memref<1x128x128xf32, #tpu.memory_space<hbm>> -> memref<128x128xf32, #tpu.memory_space<hbm>>
    %dma_start3A_135 = tpu.memref_slice %arg8[%dma_start3A_127] : memref<5x!tpu.dma_semaphore, #tpu.memory_space<semaphore_mem>> -> memref<1x!tpu.dma_semaphore, #tpu.memory_space<semaphore_mem>>
    %dma_start3A_136 = tpu.memref_squeeze %dma_start3A_135 : memref<1x!tpu.dma_semaphore, #tpu.memory_space<semaphore_mem>> -> memref<!tpu.dma_semaphore, #tpu.memory_space<semaphore_mem>>
    %dma_start3A_137 = arith.constant 0 : i32
    %dma_start3A_138 = tpu.memref_slice %arg4[%dma_start3A_126, %mul3A_2, %dma_start3A_137] : memref<50x4096x128xf32, #tpu.memory_space<hbm>> -> memref<1x128x128xf32, #tpu.memory_space<hbm>>
    %dma_start3A_139 = tpu.memref_squeeze %dma_start3A_138 : memref<1x128x128xf32, #tpu.memory_space<hbm>> -> memref<128x128xf32, #tpu.memory_space<hbm>>
    %dma_start3A_140 = arith.constant 0 : i32
    %dma_start3A_141 = arith.constant 0 : i32
    %dma_start3A_142 = tpu.memref_slice %arg6[%dma_start3A_125, %dma_start3A_140, %dma_start3A_141] : memref<5x128x128xf32, #tpu.memory_space<vmem>> -> memref<1x128x128xf32, #tpu.memory_space<vmem>>
    %dma_start3A_143 = tpu.memref_squeeze %dma_start3A_142 : memref<1x128x128xf32, #tpu.memory_space<vmem>> -> memref<128x128xf32, #tpu.memory_space<vmem>>
    tpu.enqueue_dma source(%dma_start3A_143 : memref<128x128xf32, #tpu.memory_space<vmem>>) target(%dma_start3A_139 : memref<128x128xf32, #tpu.memory_space<hbm>>) target_semaphore(%dma_start3A_136 : memref<!tpu.dma_semaphore, #tpu.memory_space<semaphore_mem>>)
    %dma_wait3A_144 = arith.constant 0 : i32
    %dma_wait3A_145 = arith.constant 0 : i32
    %dma_wait3A_146 = arith.constant 0 : i32
    %dma_wait3A_147 = arith.constant 0 : i32
    %dma_wait3A_148 = arith.constant 0 : i32
    %dma_wait3A_149 = tpu.memref_slice %arg6[%dma_wait3A_144, %dma_wait3A_147, %dma_wait3A_148] : memref<5x128x128xf32, #tpu.memory_space<vmem>> -> memref<1x128x128xf32, #tpu.memory_space<vmem>>
    %dma_wait3A_150 = tpu.memref_squeeze %dma_wait3A_149 : memref<1x128x128xf32, #tpu.memory_space<vmem>> -> memref<128x128xf32, #tpu.memory_space<vmem>>
    %dma_wait3A_151 = arith.constant 0 : i32
    %dma_wait3A_152 = tpu.memref_slice %arg4[%dma_wait3A_145, %mul3A_2, %dma_wait3A_151] : memref<50x4096x128xf32, #tpu.memory_space<hbm>> -> memref<1x128x128xf32, #tpu.memory_space<hbm>>
    %dma_wait3A_153 = tpu.memref_squeeze %dma_wait3A_152 : memref<1x128x128xf32, #tpu.memory_space<hbm>> -> memref<128x128xf32, #tpu.memory_space<hbm>>
    %dma_wait3A_154 = tpu.memref_slice %arg8[%dma_wait3A_146] : memref<5x!tpu.dma_semaphore, #tpu.memory_space<semaphore_mem>> -> memref<1x!tpu.dma_semaphore, #tpu.memory_space<semaphore_mem>>
    %dma_wait3A_155 = tpu.memref_squeeze %dma_wait3A_154 : memref<1x!tpu.dma_semaphore, #tpu.memory_space<semaphore_mem>> -> memref<!tpu.dma_semaphore, #tpu.memory_space<semaphore_mem>>
    %dma_wait3A_156 = arith.constant 0 : i32
    %dma_wait3A_157 = tpu.memref_slice %arg4[%dma_wait3A_145, %mul3A_2, %dma_wait3A_156] : memref<50x4096x128xf32, #tpu.memory_space<hbm>> -> memref<1x128x128xf32, #tpu.memory_space<hbm>>
    %dma_wait3A_158 = tpu.memref_squeeze %dma_wait3A_157 : memref<1x128x128xf32, #tpu.memory_space<hbm>> -> memref<128x128xf32, #tpu.memory_space<hbm>>
    %dma_wait3A_159 = arith.constant 0 : i32
    %dma_wait3A_160 = arith.constant 0 : i32
    %dma_wait3A_161 = tpu.memref_slice %arg6[%dma_wait3A_144, %dma_wait3A_159, %dma_wait3A_160] : memref<5x128x128xf32, #tpu.memory_space<vmem>> -> memref<1x128x128xf32, #tpu.memory_space<vmem>>
    %dma_wait3A_162 = tpu.memref_squeeze %dma_wait3A_161 : memref<1x128x128xf32, #tpu.memory_space<vmem>> -> memref<128x128xf32, #tpu.memory_space<vmem>>
    tpu.wait_dma2 semaphore(%dma_wait3A_155 : memref<!tpu.dma_semaphore, #tpu.memory_space<semaphore_mem>>) src(%dma_wait3A_162 : memref<128x128xf32, #tpu.memory_space<vmem>>) dst(%dma_wait3A_158 : memref<128x128xf32, #tpu.memory_space<hbm>>)
    %dma_start3A_163 = arith.constant 5 : i32
    %dma_start3A_164 = arith.constant 0 : i32
    %dma_start3A_165 = arith.constant 0 : i32
    %dma_start3A_166 = arith.constant 0 : i32
    %dma_start3A_167 = arith.constant 0 : i32
    %dma_start3A_168 = tpu.memref_slice %arg6[%dma_start3A_164, %dma_start3A_166, %dma_start3A_167] : memref<5x128x128xf32, #tpu.memory_space<vmem>> -> memref<1x128x128xf32, #tpu.memory_space<vmem>>
    %dma_start3A_169 = tpu.memref_squeeze %dma_start3A_168 : memref<1x128x128xf32, #tpu.memory_space<vmem>> -> memref<128x128xf32, #tpu.memory_space<vmem>>
    %dma_start3A_170 = arith.constant 0 : i32
    %dma_start3A_171 = tpu.memref_slice %arg5[%dma_start3A_163, %dma_start3A_170] : memref<50x128xi32, #tpu.memory_space<vmem>> -> memref<1x128xi32, #tpu.memory_space<vmem>>
    %dma_start3A_172 = tpu.memref_squeeze %dma_start3A_171 : memref<1x128xi32, #tpu.memory_space<vmem>> -> memref<128xi32, #tpu.memory_space<vmem>>
    %dma_start3A_173 = arith.constant 0 : i32
    %dma_start3A_174 = arith.constant 0 : i32
    %dma_start3A_175 = tpu.memref_slice %arg3[%dma_start3A_173, %dma_start3A_174] : memref<100000x128xf32, #tpu.memory_space<hbm>> -> memref<100000x128xf32, #tpu.memory_space<hbm>>
    %dma_start3A_176 = tpu.memref_slice %arg7[%dma_start3A_165] : memref<5x!tpu.dma_semaphore, #tpu.memory_space<semaphore_mem>> -> memref<1x!tpu.dma_semaphore, #tpu.memory_space<semaphore_mem>>
    %dma_start3A_177 = tpu.memref_squeeze %dma_start3A_176 : memref<1x!tpu.dma_semaphore, #tpu.memory_space<semaphore_mem>> -> memref<!tpu.dma_semaphore, #tpu.memory_space<semaphore_mem>>
    tpu.enqueue_indirect_dma source(%dma_start3A_175 : memref<100000x128xf32, #tpu.memory_space<hbm>>) target(%dma_start3A_169 : memref<128x128xf32, #tpu.memory_space<vmem>>) offsets(%dma_start3A_172 : memref<128xi32, #tpu.memory_space<vmem>>) semaphore(%dma_start3A_177 : memref<!tpu.dma_semaphore, #tpu.memory_space<semaphore_mem>>)
    %dma_wait3A_178 = arith.constant 2 : i32
    %dma_wait3A_179 = arith.constant 2 : i32
    %dma_wait3A_180 = arith.constant 2 : i32
    %dma_wait3A_181 = arith.constant 0 : i32
    %dma_wait3A_182 = arith.constant 0 : i32
    %dma_wait3A_183 = tpu.memref_slice %arg6[%dma_wait3A_179, %dma_wait3A_181, %dma_wait3A_182] : memref<5x128x128xf32, #tpu.memory_space<vmem>> -> memref<1x128x128xf32, #tpu.memory_space<vmem>>
    %dma_wait3A_184 = tpu.memref_squeeze %dma_wait3A_183 : memref<1x128x128xf32, #tpu.memory_space<vmem>> -> memref<128x128xf32, #tpu.memory_space<vmem>>
    %dma_wait3A_185 = arith.constant 0 : i32
    %dma_wait3A_186 = tpu.memref_slice %arg5[%dma_wait3A_178, %dma_wait3A_185] : memref<50x128xi32, #tpu.memory_space<vmem>> -> memref<1x128xi32, #tpu.memory_space<vmem>>
    %dma_wait3A_187 = tpu.memref_squeeze %dma_wait3A_186 : memref<1x128xi32, #tpu.memory_space<vmem>> -> memref<128xi32, #tpu.memory_space<vmem>>
    %dma_wait3A_188 = arith.constant 0 : i32
    %dma_wait3A_189 = arith.constant 0 : i32
    %dma_wait3A_190 = tpu.memref_slice %arg3[%dma_wait3A_188, %dma_wait3A_189] : memref<100000x128xf32, #tpu.memory_space<hbm>> -> memref<100000x128xf32, #tpu.memory_space<hbm>>
    %dma_wait3A_191 = tpu.memref_slice %arg7[%dma_wait3A_180] : memref<5x!tpu.dma_semaphore, #tpu.memory_space<semaphore_mem>> -> memref<1x!tpu.dma_semaphore, #tpu.memory_space<semaphore_mem>>
    %dma_wait3A_192 = tpu.memref_squeeze %dma_wait3A_191 : memref<1x!tpu.dma_semaphore, #tpu.memory_space<semaphore_mem>> -> memref<!tpu.dma_semaphore, #tpu.memory_space<semaphore_mem>>
    tpu.wait_indirect_dma semaphore(%dma_wait3A_192 : memref<!tpu.dma_semaphore, #tpu.memory_space<semaphore_mem>>) src(%dma_wait3A_190 : memref<100000x128xf32, #tpu.memory_space<hbm>>) dst(%dma_wait3A_184 : memref<128x128xf32, #tpu.memory_space<vmem>>)
    %dma_start3A_193 = arith.constant 2 : i32
    %dma_start3A_194 = arith.constant 2 : i32
    %dma_start3A_195 = arith.constant 2 : i32
    %dma_start3A_196 = arith.constant 0 : i32
    %dma_start3A_197 = arith.constant 0 : i32
    %dma_start3A_198 = tpu.memref_slice %arg6[%dma_start3A_193, %dma_start3A_196, %dma_start3A_197] : memref<5x128x128xf32, #tpu.memory_space<vmem>> -> memref<1x128x128xf32, #tpu.memory_space<vmem>>
    %dma_start3A_199 = tpu.memref_squeeze %dma_start3A_198 : memref<1x128x128xf32, #tpu.memory_space<vmem>> -> memref<128x128xf32, #tpu.memory_space<vmem>>
    %dma_start3A_200 = arith.constant 0 : i32
    %dma_start3A_201 = tpu.memref_slice %arg4[%dma_start3A_194, %mul3A_2, %dma_start3A_200] : memref<50x4096x128xf32, #tpu.memory_space<hbm>> -> memref<1x128x128xf32, #tpu.memory_space<hbm>>
    %dma_start3A_202 = tpu.memref_squeeze %dma_start3A_201 : memref<1x128x128xf32, #tpu.memory_space<hbm>> -> memref<128x128xf32, #tpu.memory_space<hbm>>
    %dma_start3A_203 = tpu.memref_slice %arg8[%dma_start3A_195] : memref<5x!tpu.dma_semaphore, #tpu.memory_space<semaphore_mem>> -> memref<1x!tpu.dma_semaphore, #tpu.memory_space<semaphore_mem>>
    %dma_start3A_204 = tpu.memref_squeeze %dma_start3A_203 : memref<1x!tpu.dma_semaphore, #tpu.memory_space<semaphore_mem>> -> memref<!tpu.dma_semaphore, #tpu.memory_space<semaphore_mem>>
    %dma_start3A_205 = arith.constant 0 : i32
    %dma_start3A_206 = tpu.memref_slice %arg4[%dma_start3A_194, %mul3A_2, %dma_start3A_205] : memref<50x4096x128xf32, #tpu.memory_space<hbm>> -> memref<1x128x128xf32, #tpu.memory_space<hbm>>
    %dma_start3A_207 = tpu.memref_squeeze %dma_start3A_206 : memref<1x128x128xf32, #tpu.memory_space<hbm>> -> memref<128x128xf32, #tpu.memory_space<hbm>>
    %dma_start3A_208 = arith.constant 0 : i32
    %dma_start3A_209 = arith.constant 0 : i32
    %dma_start3A_210 = tpu.memref_slice %arg6[%dma_start3A_193, %dma_start3A_208, %dma_start3A_209] : memref<5x128x128xf32, #tpu.memory_space<vmem>> -> memref<1x128x128xf32, #tpu.memory_space<vmem>>
    %dma_start3A_211 = tpu.memref_squeeze %dma_start3A_210 : memref<1x128x128xf32, #tpu.memory_space<vmem>> -> memref<128x128xf32, #tpu.memory_space<vmem>>
    tpu.enqueue_dma source(%dma_start3A_211 : memref<128x128xf32, #tpu.memory_space<vmem>>) target(%dma_start3A_207 : memref<128x128xf32, #tpu.memory_space<hbm>>) target_semaphore(%dma_start3A_204 : memref<!tpu.dma_semaphore, #tpu.memory_space<semaphore_mem>>)
    %dma_wait3A_212 = arith.constant 1 : i32
    %dma_wait3A_213 = arith.constant 1 : i32
    %dma_wait3A_214 = arith.constant 1 : i32
    %dma_wait3A_215 = arith.constant 0 : i32
    %dma_wait3A_216 = arith.constant 0 : i32
    %dma_wait3A_217 = tpu.memref_slice %arg6[%dma_wait3A_212, %dma_wait3A_215, %dma_wait3A_216] : memref<5x128x128xf32, #tpu.memory_space<vmem>> -> memref<1x128x128xf32, #tpu.memory_space<vmem>>
    %dma_wait3A_218 = tpu.memref_squeeze %dma_wait3A_217 : memref<1x128x128xf32, #tpu.memory_space<vmem>> -> memref<128x128xf32, #tpu.memory_space<vmem>>
    %dma_wait3A_219 = arith.constant 0 : i32
    %dma_wait3A_220 = tpu.memref_slice %arg4[%dma_wait3A_213, %mul3A_2, %dma_wait3A_219] : memref<50x4096x128xf32, #tpu.memory_space<hbm>> -> memref<1x128x128xf32, #tpu.memory_space<hbm>>
    %dma_wait3A_221 = tpu.memref_squeeze %dma_wait3A_220 : memref<1x128x128xf32, #tpu.memory_space<hbm>> -> memref<128x128xf32, #tpu.memory_space<hbm>>
    %dma_wait3A_222 = tpu.memref_slice %arg8[%dma_wait3A_214] : memref<5x!tpu.dma_semaphore, #tpu.memory_space<semaphore_mem>> -> memref<1x!tpu.dma_semaphore, #tpu.memory_space<semaphore_mem>>
    %dma_wait3A_223 = tpu.memref_squeeze %dma_wait3A_222 : memref<1x!tpu.dma_semaphore, #tpu.memory_space<semaphore_mem>> -> memref<!tpu.dma_semaphore, #tpu.memory_space<semaphore_mem>>
    %dma_wait3A_224 = arith.constant 0 : i32
    %dma_wait3A_225 = tpu.memref_slice %arg4[%dma_wait3A_213, %mul3A_2, %dma_wait3A_224] : memref<50x4096x128xf32, #tpu.memory_space<hbm>> -> memref<1x128x128xf32, #tpu.memory_space<hbm>>
    %dma_wait3A_226 = tpu.memref_squeeze %dma_wait3A_225 : memref<1x128x128xf32, #tpu.memory_space<hbm>> -> memref<128x128xf32, #tpu.memory_space<hbm>>
    %dma_wait3A_227 = arith.constant 0 : i32
    %dma_wait3A_228 = arith.constant 0 : i32
    %dma_wait3A_229 = tpu.memref_slice %arg6[%dma_wait3A_212, %dma_wait3A_227, %dma_wait3A_228] : memref<5x128x128xf32, #tpu.memory_space<vmem>> -> memref<1x128x128xf32, #tpu.memory_space<vmem>>
    %dma_wait3A_230 = tpu.memref_squeeze %dma_wait3A_229 : memref<1x128x128xf32, #tpu.memory_space<vmem>> -> memref<128x128xf32, #tpu.memory_space<vmem>>
    tpu.wait_dma2 semaphore(%dma_wait3A_223 : memref<!tpu.dma_semaphore, #tpu.memory_space<semaphore_mem>>) src(%dma_wait3A_230 : memref<128x128xf32, #tpu.memory_space<vmem>>) dst(%dma_wait3A_226 : memref<128x128xf32, #tpu.memory_space<hbm>>)
    %dma_start3A_231 = arith.constant 6 : i32
    %dma_start3A_232 = arith.constant 1 : i32
    %dma_start3A_233 = arith.constant 1 : i32
    %dma_start3A_234 = arith.constant 0 : i32
    %dma_start3A_235 = arith.constant 0 : i32
    %dma_start3A_236 = tpu.memref_slice %arg6[%dma_start3A_232, %dma_start3A_234, %dma_start3A_235] : memref<5x128x128xf32, #tpu.memory_space<vmem>> -> memref<1x128x128xf32, #tpu.memory_space<vmem>>
    %dma_start3A_237 = tpu.memref_squeeze %dma_start3A_236 : memref<1x128x128xf32, #tpu.memory_space<vmem>> -> memref<128x128xf32, #tpu.memory_space<vmem>>
    %dma_start3A_238 = arith.constant 0 : i32
    %dma_start3A_239 = tpu.memref_slice %arg5[%dma_start3A_231, %dma_start3A_238] : memref<50x128xi32, #tpu.memory_space<vmem>> -> memref<1x128xi32, #tpu.memory_space<vmem>>
    %dma_start3A_240 = tpu.memref_squeeze %dma_start3A_239 : memref<1x128xi32, #tpu.memory_space<vmem>> -> memref<128xi32, #tpu.memory_space<vmem>>
    %dma_start3A_241 = arith.constant 0 : i32
    %dma_start3A_242 = arith.constant 0 : i32
    %dma_start3A_243 = tpu.memref_slice %arg3[%dma_start3A_241, %dma_start3A_242] : memref<100000x128xf32, #tpu.memory_space<hbm>> -> memref<100000x128xf32, #tpu.memory_space<hbm>>
    %dma_start3A_244 = tpu.memref_slice %arg7[%dma_start3A_233] : memref<5x!tpu.dma_semaphore, #tpu.memory_space<semaphore_mem>> -> memref<1x!tpu.dma_semaphore, #tpu.memory_space<semaphore_mem>>
    %dma_start3A_245 = tpu.memref_squeeze %dma_start3A_244 : memref<1x!tpu.dma_semaphore, #tpu.memory_space<semaphore_mem>> -> memref<!tpu.dma_semaphore, #tpu.memory_space<semaphore_mem>>
    tpu.enqueue_indirect_dma source(%dma_start3A_243 : memref<100000x128xf32, #tpu.memory_space<hbm>>) target(%dma_start3A_237 : memref<128x128xf32, #tpu.memory_space<vmem>>) offsets(%dma_start3A_240 : memref<128xi32, #tpu.memory_space<vmem>>) semaphore(%dma_start3A_245 : memref<!tpu.dma_semaphore, #tpu.memory_space<semaphore_mem>>)
    %dma_wait3A_246 = arith.constant 3 : i32
    %dma_wait3A_247 = arith.constant 3 : i32
    %dma_wait3A_248 = arith.constant 3 : i32
    %dma_wait3A_249 = arith.constant 0 : i32
    %dma_wait3A_250 = arith.constant 0 : i32
    %dma_wait3A_251 = tpu.memref_slice %arg6[%dma_wait3A_247, %dma_wait3A_249, %dma_wait3A_250] : memref<5x128x128xf32, #tpu.memory_space<vmem>> -> memref<1x128x128xf32, #tpu.memory_space<vmem>>
    %dma_wait3A_252 = tpu.memref_squeeze %dma_wait3A_251 : memref<1x128x128xf32, #tpu.memory_space<vmem>> -> memref<128x128xf32, #tpu.memory_space<vmem>>
    %dma_wait3A_253 = arith.constant 0 : i32
    %dma_wait3A_254 = tpu.memref_slice %arg5[%dma_wait3A_246, %dma_wait3A_253] : memref<50x128xi32, #tpu.memory_space<vmem>> -> memref<1x128xi32, #tpu.memory_space<vmem>>
    %dma_wait3A_255 = tpu.memref_squeeze %dma_wait3A_254 : memref<1x128xi32, #tpu.memory_space<vmem>> -> memref<128xi32, #tpu.memory_space<vmem>>
    %dma_wait3A_256 = arith.constant 0 : i32
    %dma_wait3A_257 = arith.constant 0 : i32
    %dma_wait3A_258 = tpu.memref_slice %arg3[%dma_wait3A_256, %dma_wait3A_257] : memref<100000x128xf32, #tpu.memory_space<hbm>> -> memref<100000x128xf32, #tpu.memory_space<hbm>>
    %dma_wait3A_259 = tpu.memref_slice %arg7[%dma_wait3A_248] : memref<5x!tpu.dma_semaphore, #tpu.memory_space<semaphore_mem>> -> memref<1x!tpu.dma_semaphore, #tpu.memory_space<semaphore_mem>>
    %dma_wait3A_260 = tpu.memref_squeeze %dma_wait3A_259 : memref<1x!tpu.dma_semaphore, #tpu.memory_space<semaphore_mem>> -> memref<!tpu.dma_semaphore, #tpu.memory_space<semaphore_mem>>
    tpu.wait_indirect_dma semaphore(%dma_wait3A_260 : memref<!tpu.dma_semaphore, #tpu.memory_space<semaphore_mem>>) src(%dma_wait3A_258 : memref<100000x128xf32, #tpu.memory_space<hbm>>) dst(%dma_wait3A_252 : memref<128x128xf32, #tpu.memory_space<vmem>>)
    %dma_start3A_261 = arith.constant 3 : i32
    %dma_start3A_262 = arith.constant 3 : i32
    %dma_start3A_263 = arith.constant 3 : i32
    %dma_start3A_264 = arith.constant 0 : i32
    %dma_start3A_265 = arith.constant 0 : i32
    %dma_start3A_266 = tpu.memref_slice %arg6[%dma_start3A_261, %dma_start3A_264, %dma_start3A_265] : memref<5x128x128xf32, #tpu.memory_space<vmem>> -> memref<1x128x128xf32, #tpu.memory_space<vmem>>
    %dma_start3A_267 = tpu.memref_squeeze %dma_start3A_266 : memref<1x128x128xf32, #tpu.memory_space<vmem>> -> memref<128x128xf32, #tpu.memory_space<vmem>>
    %dma_start3A_268 = arith.constant 0 : i32
    %dma_start3A_269 = tpu.memref_slice %arg4[%dma_start3A_262, %mul3A_2, %dma_start3A_268] : memref<50x4096x128xf32, #tpu.memory_space<hbm>> -> memref<1x128x128xf32, #tpu.memory_space<hbm>>
    %dma_start3A_270 = tpu.memref_squeeze %dma_start3A_269 : memref<1x128x128xf32, #tpu.memory_space<hbm>> -> memref<128x128xf32, #tpu.memory_space<hbm>>
    %dma_start3A_271 = tpu.memref_slice %arg8[%dma_start3A_263] : memref<5x!tpu.dma_semaphore, #tpu.memory_space<semaphore_mem>> -> memref<1x!tpu.dma_semaphore, #tpu.memory_space<semaphore_mem>>
    %dma_start3A_272 = tpu.memref_squeeze %dma_start3A_271 : memref<1x!tpu.dma_semaphore, #tpu.memory_space<semaphore_mem>> -> memref<!tpu.dma_semaphore, #tpu.memory_space<semaphore_mem>>
    %dma_start3A_273 = arith.constant 0 : i32
    %dma_start3A_274 = tpu.memref_slice %arg4[%dma_start3A_262, %mul3A_2, %dma_start3A_273] : memref<50x4096x128xf32, #tpu.memory_space<hbm>> -> memref<1x128x128xf32, #tpu.memory_space<hbm>>
    %dma_start3A_275 = tpu.memref_squeeze %dma_start3A_274 : memref<1x128x128xf32, #tpu.memory_space<hbm>> -> memref<128x128xf32, #tpu.memory_space<hbm>>
    %dma_start3A_276 = arith.constant 0 : i32
    %dma_start3A_277 = arith.constant 0 : i32
    %dma_start3A_278 = tpu.memref_slice %arg6[%dma_start3A_261, %dma_start3A_276, %dma_start3A_277] : memref<5x128x128xf32, #tpu.memory_space<vmem>> -> memref<1x128x128xf32, #tpu.memory_space<vmem>>
    %dma_start3A_279 = tpu.memref_squeeze %dma_start3A_278 : memref<1x128x128xf32, #tpu.memory_space<vmem>> -> memref<128x128xf32, #tpu.memory_space<vmem>>
    tpu.enqueue_dma source(%dma_start3A_279 : memref<128x128xf32, #tpu.memory_space<vmem>>) target(%dma_start3A_275 : memref<128x128xf32, #tpu.memory_space<hbm>>) target_semaphore(%dma_start3A_272 : memref<!tpu.dma_semaphore, #tpu.memory_space<semaphore_mem>>)
    %dma_wait3A_280 = arith.constant 2 : i32
    %dma_wait3A_281 = arith.constant 2 : i32
    %dma_wait3A_282 = arith.constant 2 : i32
    %dma_wait3A_283 = arith.constant 0 : i32
    %dma_wait3A_284 = arith.constant 0 : i32
    %dma_wait3A_285 = tpu.memref_slice %arg6[%dma_wait3A_280, %dma_wait3A_283, %dma_wait3A_284] : memref<5x128x128xf32, #tpu.memory_space<vmem>> -> memref<1x128x128xf32, #tpu.memory_space<vmem>>
    %dma_wait3A_286 = tpu.memref_squeeze %dma_wait3A_285 : memref<1x128x128xf32, #tpu.memory_space<vmem>> -> memref<128x128xf32, #tpu.memory_space<vmem>>
    %dma_wait3A_287 = arith.constant 0 : i32
    %dma_wait3A_288 = tpu.memref_slice %arg4[%dma_wait3A_281, %mul3A_2, %dma_wait3A_287] : memref<50x4096x128xf32, #tpu.memory_space<hbm>> -> memref<1x128x128xf32, #tpu.memory_space<hbm>>
    %dma_wait3A_289 = tpu.memref_squeeze %dma_wait3A_288 : memref<1x128x128xf32, #tpu.memory_space<hbm>> -> memref<128x128xf32, #tpu.memory_space<hbm>>
    %dma_wait3A_290 = tpu.memref_slice %arg8[%dma_wait3A_282] : memref<5x!tpu.dma_semaphore, #tpu.memory_space<semaphore_mem>> -> memref<1x!tpu.dma_semaphore, #tpu.memory_space<semaphore_mem>>
    %dma_wait3A_291 = tpu.memref_squeeze %dma_wait3A_290 : memref<1x!tpu.dma_semaphore, #tpu.memory_space<semaphore_mem>> -> memref<!tpu.dma_semaphore, #tpu.memory_space<semaphore_mem>>
    %dma_wait3A_292 = arith.constant 0 : i32
    %dma_wait3A_293 = tpu.memref_slice %arg4[%dma_wait3A_281, %mul3A_2, %dma_wait3A_292] : memref<50x4096x128xf32, #tpu.memory_space<hbm>> -> memref<1x128x128xf32, #tpu.memory_space<hbm>>
    %dma_wait3A_294 = tpu.memref_squeeze %dma_wait3A_293 : memref<1x128x128xf32, #tpu.memory_space<hbm>> -> memref<128x128xf32, #tpu.memory_space<hbm>>
    %dma_wait3A_295 = arith.constant 0 : i32
    %dma_wait3A_296 = arith.constant 0 : i32
    %dma_wait3A_297 = tpu.memref_slice %arg6[%dma_wait3A_280, %dma_wait3A_295, %dma_wait3A_296] : memref<5x128x128xf32, #tpu.memory_space<vmem>> -> memref<1x128x128xf32, #tpu.memory_space<vmem>>
    %dma_wait3A_298 = tpu.memref_squeeze %dma_wait3A_297 : memref<1x128x128xf32, #tpu.memory_space<vmem>> -> memref<128x128xf32, #tpu.memory_space<vmem>>
    tpu.wait_dma2 semaphore(%dma_wait3A_291 : memref<!tpu.dma_semaphore, #tpu.memory_space<semaphore_mem>>) src(%dma_wait3A_298 : memref<128x128xf32, #tpu.memory_space<vmem>>) dst(%dma_wait3A_294 : memref<128x128xf32, #tpu.memory_space<hbm>>)
    %dma_start3A_299 = arith.constant 7 : i32
    %dma_start3A_300 = arith.constant 2 : i32
    %dma_start3A_301 = arith.constant 2 : i32
    %dma_start3A_302 = arith.constant 0 : i32
    %dma_start3A_303 = arith.constant 0 : i32
    %dma_start3A_304 = tpu.memref_slice %arg6[%dma_start3A_300, %dma_start3A_302, %dma_start3A_303] : memref<5x128x128xf32, #tpu.memory_space<vmem>> -> memref<1x128x128xf32, #tpu.memory_space<vmem>>
    %dma_start3A_305 = tpu.memref_squeeze %dma_start3A_304 : memref<1x128x128xf32, #tpu.memory_space<vmem>> -> memref<128x128xf32, #tpu.memory_space<vmem>>
    %dma_start3A_306 = arith.constant 0 : i32
    %dma_start3A_307 = tpu.memref_slice %arg5[%dma_start3A_299, %dma_start3A_306] : memref<50x128xi32, #tpu.memory_space<vmem>> -> memref<1x128xi32, #tpu.memory_space<vmem>>
    %dma_start3A_308 = tpu.memref_squeeze %dma_start3A_307 : memref<1x128xi32, #tpu.memory_space<vmem>> -> memref<128xi32, #tpu.memory_space<vmem>>
    %dma_start3A_309 = arith.constant 0 : i32
    %dma_start3A_310 = arith.constant 0 : i32
    %dma_start3A_311 = tpu.memref_slice %arg3[%dma_start3A_309, %dma_start3A_310] : memref<100000x128xf32, #tpu.memory_space<hbm>> -> memref<100000x128xf32, #tpu.memory_space<hbm>>
    %dma_start3A_312 = tpu.memref_slice %arg7[%dma_start3A_301] : memref<5x!tpu.dma_semaphore, #tpu.memory_space<semaphore_mem>> -> memref<1x!tpu.dma_semaphore, #tpu.memory_space<semaphore_mem>>
    %dma_start3A_313 = tpu.memref_squeeze %dma_start3A_312 : memref<1x!tpu.dma_semaphore, #tpu.memory_space<semaphore_mem>> -> memref<!tpu.dma_semaphore, #tpu.memory_space<semaphore_mem>>
    tpu.enqueue_indirect_dma source(%dma_start3A_311 : memref<100000x128xf32, #tpu.memory_space<hbm>>) target(%dma_start3A_305 : memref<128x128xf32, #tpu.memory_space<vmem>>) offsets(%dma_start3A_308 : memref<128xi32, #tpu.memory_space<vmem>>) semaphore(%dma_start3A_313 : memref<!tpu.dma_semaphore, #tpu.memory_space<semaphore_mem>>)
    %dma_wait3A_314 = arith.constant 4 : i32
    %dma_wait3A_315 = arith.constant 4 : i32
    %dma_wait3A_316 = arith.constant 4 : i32
    %dma_wait3A_317 = arith.constant 0 : i32
    %dma_wait3A_318 = arith.constant 0 : i32
    %dma_wait3A_319 = tpu.memref_slice %arg6[%dma_wait3A_315, %dma_wait3A_317, %dma_wait3A_318] : memref<5x128x128xf32, #tpu.memory_space<vmem>> -> memref<1x128x128xf32, #tpu.memory_space<vmem>>
    %dma_wait3A_320 = tpu.memref_squeeze %dma_wait3A_319 : memref<1x128x128xf32, #tpu.memory_space<vmem>> -> memref<128x128xf32, #tpu.memory_space<vmem>>
    %dma_wait3A_321 = arith.constant 0 : i32
    %dma_wait3A_322 = tpu.memref_slice %arg5[%dma_wait3A_314, %dma_wait3A_321] : memref<50x128xi32, #tpu.memory_space<vmem>> -> memref<1x128xi32, #tpu.memory_space<vmem>>
    %dma_wait3A_323 = tpu.memref_squeeze %dma_wait3A_322 : memref<1x128xi32, #tpu.memory_space<vmem>> -> memref<128xi32, #tpu.memory_space<vmem>>
    %dma_wait3A_324 = arith.constant 0 : i32
    %dma_wait3A_325 = arith.constant 0 : i32
    %dma_wait3A_326 = tpu.memref_slice %arg3[%dma_wait3A_324, %dma_wait3A_325] : memref<100000x128xf32, #tpu.memory_space<hbm>> -> memref<100000x128xf32, #tpu.memory_space<hbm>>
    %dma_wait3A_327 = tpu.memref_slice %arg7[%dma_wait3A_316] : memref<5x!tpu.dma_semaphore, #tpu.memory_space<semaphore_mem>> -> memref<1x!tpu.dma_semaphore, #tpu.memory_space<semaphore_mem>>
    %dma_wait3A_328 = tpu.memref_squeeze %dma_wait3A_327 : memref<1x!tpu.dma_semaphore, #tpu.memory_space<semaphore_mem>> -> memref<!tpu.dma_semaphore, #tpu.memory_space<semaphore_mem>>
    tpu.wait_indirect_dma semaphore(%dma_wait3A_328 : memref<!tpu.dma_semaphore, #tpu.memory_space<semaphore_mem>>) src(%dma_wait3A_326 : memref<100000x128xf32, #tpu.memory_space<hbm>>) dst(%dma_wait3A_320 : memref<128x128xf32, #tpu.memory_space<vmem>>)
    %dma_start3A_329 = arith.constant 4 : i32
    %dma_start3A_330 = arith.constant 4 : i32
    %dma_start3A_331 = arith.constant 4 : i32
    %dma_start3A_332 = arith.constant 0 : i32
    %dma_start3A_333 = arith.constant 0 : i32
    %dma_start3A_334 = tpu.memref_slice %arg6[%dma_start3A_329, %dma_start3A_332, %dma_start3A_333] : memref<5x128x128xf32, #tpu.memory_space<vmem>> -> memref<1x128x128xf32, #tpu.memory_space<vmem>>
    %dma_start3A_335 = tpu.memref_squeeze %dma_start3A_334 : memref<1x128x128xf32, #tpu.memory_space<vmem>> -> memref<128x128xf32, #tpu.memory_space<vmem>>
    %dma_start3A_336 = arith.constant 0 : i32
    %dma_start3A_337 = tpu.memref_slice %arg4[%dma_start3A_330, %mul3A_2, %dma_start3A_336] : memref<50x4096x128xf32, #tpu.memory_space<hbm>> -> memref<1x128x128xf32, #tpu.memory_space<hbm>>
    %dma_start3A_338 = tpu.memref_squeeze %dma_start3A_337 : memref<1x128x128xf32, #tpu.memory_space<hbm>> -> memref<128x128xf32, #tpu.memory_space<hbm>>
    %dma_start3A_339 = tpu.memref_slice %arg8[%dma_start3A_331] : memref<5x!tpu.dma_semaphore, #tpu.memory_space<semaphore_mem>> -> memref<1x!tpu.dma_semaphore, #tpu.memory_space<semaphore_mem>>
    %dma_start3A_340 = tpu.memref_squeeze %dma_start3A_339 : memref<1x!tpu.dma_semaphore, #tpu.memory_space<semaphore_mem>> -> memref<!tpu.dma_semaphore, #tpu.memory_space<semaphore_mem>>
    %dma_start3A_341 = arith.constant 0 : i32
    %dma_start3A_342 = tpu.memref_slice %arg4[%dma_start3A_330, %mul3A_2, %dma_start3A_341] : memref<50x4096x128xf32, #tpu.memory_space<hbm>> -> memref<1x128x128xf32, #tpu.memory_space<hbm>>
    %dma_start3A_343 = tpu.memref_squeeze %dma_start3A_342 : memref<1x128x128xf32, #tpu.memory_space<hbm>> -> memref<128x128xf32, #tpu.memory_space<hbm>>
    %dma_start3A_344 = arith.constant 0 : i32
    %dma_start3A_345 = arith.constant 0 : i32
    %dma_start3A_346 = tpu.memref_slice %arg6[%dma_start3A_329, %dma_start3A_344, %dma_start3A_345] : memref<5x128x128xf32, #tpu.memory_space<vmem>> -> memref<1x128x128xf32, #tpu.memory_space<vmem>>
    %dma_start3A_347 = tpu.memref_squeeze %dma_start3A_346 : memref<1x128x128xf32, #tpu.memory_space<vmem>> -> memref<128x128xf32, #tpu.memory_space<vmem>>
    tpu.enqueue_dma source(%dma_start3A_347 : memref<128x128xf32, #tpu.memory_space<vmem>>) target(%dma_start3A_343 : memref<128x128xf32, #tpu.memory_space<hbm>>) target_semaphore(%dma_start3A_340 : memref<!tpu.dma_semaphore, #tpu.memory_space<semaphore_mem>>)
    %dma_wait3A_348 = arith.constant 3 : i32
    %dma_wait3A_349 = arith.constant 3 : i32
    %dma_wait3A_350 = arith.constant 3 : i32
    %dma_wait3A_351 = arith.constant 0 : i32
    %dma_wait3A_352 = arith.constant 0 : i32
    %dma_wait3A_353 = tpu.memref_slice %arg6[%dma_wait3A_348, %dma_wait3A_351, %dma_wait3A_352] : memref<5x128x128xf32, #tpu.memory_space<vmem>> -> memref<1x128x128xf32, #tpu.memory_space<vmem>>
    %dma_wait3A_354 = tpu.memref_squeeze %dma_wait3A_353 : memref<1x128x128xf32, #tpu.memory_space<vmem>> -> memref<128x128xf32, #tpu.memory_space<vmem>>
    %dma_wait3A_355 = arith.constant 0 : i32
    %dma_wait3A_356 = tpu.memref_slice %arg4[%dma_wait3A_349, %mul3A_2, %dma_wait3A_355] : memref<50x4096x128xf32, #tpu.memory_space<hbm>> -> memref<1x128x128xf32, #tpu.memory_space<hbm>>
    %dma_wait3A_357 = tpu.memref_squeeze %dma_wait3A_356 : memref<1x128x128xf32, #tpu.memory_space<hbm>> -> memref<128x128xf32, #tpu.memory_space<hbm>>
    %dma_wait3A_358 = tpu.memref_slice %arg8[%dma_wait3A_350] : memref<5x!tpu.dma_semaphore, #tpu.memory_space<semaphore_mem>> -> memref<1x!tpu.dma_semaphore, #tpu.memory_space<semaphore_mem>>
    %dma_wait3A_359 = tpu.memref_squeeze %dma_wait3A_358 : memref<1x!tpu.dma_semaphore, #tpu.memory_space<semaphore_mem>> -> memref<!tpu.dma_semaphore, #tpu.memory_space<semaphore_mem>>
    %dma_wait3A_360 = arith.constant 0 : i32
    %dma_wait3A_361 = tpu.memref_slice %arg4[%dma_wait3A_349, %mul3A_2, %dma_wait3A_360] : memref<50x4096x128xf32, #tpu.memory_space<hbm>> -> memref<1x128x128xf32, #tpu.memory_space<hbm>>
    %dma_wait3A_362 = tpu.memref_squeeze %dma_wait3A_361 : memref<1x128x128xf32, #tpu.memory_space<hbm>> -> memref<128x128xf32, #tpu.memory_space<hbm>>
    %dma_wait3A_363 = arith.constant 0 : i32
    %dma_wait3A_364 = arith.constant 0 : i32
    %dma_wait3A_365 = tpu.memref_slice %arg6[%dma_wait3A_348, %dma_wait3A_363, %dma_wait3A_364] : memref<5x128x128xf32, #tpu.memory_space<vmem>> -> memref<1x128x128xf32, #tpu.memory_space<vmem>>
    %dma_wait3A_366 = tpu.memref_squeeze %dma_wait3A_365 : memref<1x128x128xf32, #tpu.memory_space<vmem>> -> memref<128x128xf32, #tpu.memory_space<vmem>>
    tpu.wait_dma2 semaphore(%dma_wait3A_359 : memref<!tpu.dma_semaphore, #tpu.memory_space<semaphore_mem>>) src(%dma_wait3A_366 : memref<128x128xf32, #tpu.memory_space<vmem>>) dst(%dma_wait3A_362 : memref<128x128xf32, #tpu.memory_space<hbm>>)
    %dma_start3A_367 = arith.constant 8 : i32
    %dma_start3A_368 = arith.constant 3 : i32
    %dma_start3A_369 = arith.constant 3 : i32
    %dma_start3A_370 = arith.constant 0 : i32
    %dma_start3A_371 = arith.constant 0 : i32
    %dma_start3A_372 = tpu.memref_slice %arg6[%dma_start3A_368, %dma_start3A_370, %dma_start3A_371] : memref<5x128x128xf32, #tpu.memory_space<vmem>> -> memref<1x128x128xf32, #tpu.memory_space<vmem>>
    %dma_start3A_373 = tpu.memref_squeeze %dma_start3A_372 : memref<1x128x128xf32, #tpu.memory_space<vmem>> -> memref<128x128xf32, #tpu.memory_space<vmem>>
    %dma_start3A_374 = arith.constant 0 : i32
    %dma_start3A_375 = tpu.memref_slice %arg5[%dma_start3A_367, %dma_start3A_374] : memref<50x128xi32, #tpu.memory_space<vmem>> -> memref<1x128xi32, #tpu.memory_space<vmem>>
    %dma_start3A_376 = tpu.memref_squeeze %dma_start3A_375 : memref<1x128xi32, #tpu.memory_space<vmem>> -> memref<128xi32, #tpu.memory_space<vmem>>
    %dma_start3A_377 = arith.constant 0 : i32
    %dma_start3A_378 = arith.constant 0 : i32
    %dma_start3A_379 = tpu.memref_slice %arg3[%dma_start3A_377, %dma_start3A_378] : memref<100000x128xf32, #tpu.memory_space<hbm>> -> memref<100000x128xf32, #tpu.memory_space<hbm>>
    %dma_start3A_380 = tpu.memref_slice %arg7[%dma_start3A_369] : memref<5x!tpu.dma_semaphore, #tpu.memory_space<semaphore_mem>> -> memref<1x!tpu.dma_semaphore, #tpu.memory_space<semaphore_mem>>
    %dma_start3A_381 = tpu.memref_squeeze %dma_start3A_380 : memref<1x!tpu.dma_semaphore, #tpu.memory_space<semaphore_mem>> -> memref<!tpu.dma_semaphore, #tpu.memory_space<semaphore_mem>>
    tpu.enqueue_indirect_dma source(%dma_start3A_379 : memref<100000x128xf32, #tpu.memory_space<hbm>>) target(%dma_start3A_373 : memref<128x128xf32, #tpu.memory_space<vmem>>) offsets(%dma_start3A_376 : memref<128xi32, #tpu.memory_space<vmem>>) semaphore(%dma_start3A_381 : memref<!tpu.dma_semaphore, #tpu.memory_space<semaphore_mem>>)
    %scan3A = arith.constant 0 : i32
    %scan3A_382 = arith.constant 8 : i32
    %scan3A_383 = arith.addi %scan3A, %scan3A_382 : i32
    %scan3A_384 = arith.constant 1 : i32
    scf.for %scan3A_685 = %scan3A to %scan3A_383 step %scan3A_384  : i32 {
      %mul3A_686 = arith.constant 5 : i32
      %mul3A_687 = arith.muli %scan3A_685, %mul3A_686 : i32
      %add3A_688 = arith.constant 5 : i32
      %add3A_689 = arith.addi %add3A_688, %mul3A_687 : i32
      %add3A_690 = arith.constant 0 : i32
      %add3A_691 = arith.addi %add3A_689, %add3A_690 : i32
      %dma_wait3A_692 = arith.constant 0 : i32
      %dma_wait3A_693 = arith.constant 0 : i32
      %dma_wait3A_694 = arith.constant 0 : i32
      %dma_wait3A_695 = arith.constant 0 : i32
      %dma_wait3A_696 = tpu.memref_slice %arg6[%dma_wait3A_692, %dma_wait3A_694, %dma_wait3A_695] : memref<5x128x128xf32, #tpu.memory_space<vmem>> -> memref<1x128x128xf32, #tpu.memory_space<vmem>>
      %dma_wait3A_697 = tpu.memref_squeeze %dma_wait3A_696 : memref<1x128x128xf32, #tpu.memory_space<vmem>> -> memref<128x128xf32, #tpu.memory_space<vmem>>
      %dma_wait3A_698 = arith.constant 0 : i32
      %dma_wait3A_699 = tpu.memref_slice %arg5[%add3A_691, %dma_wait3A_698] : memref<50x128xi32, #tpu.memory_space<vmem>> -> memref<1x128xi32, #tpu.memory_space<vmem>>
      %dma_wait3A_700 = tpu.memref_squeeze %dma_wait3A_699 : memref<1x128xi32, #tpu.memory_space<vmem>> -> memref<128xi32, #tpu.memory_space<vmem>>
      %dma_wait3A_701 = arith.constant 0 : i32
      %dma_wait3A_702 = arith.constant 0 : i32
      %dma_wait3A_703 = tpu.memref_slice %arg3[%dma_wait3A_701, %dma_wait3A_702] : memref<100000x128xf32, #tpu.memory_space<hbm>> -> memref<100000x128xf32, #tpu.memory_space<hbm>>
      %dma_wait3A_704 = tpu.memref_slice %arg7[%dma_wait3A_693] : memref<5x!tpu.dma_semaphore, #tpu.memory_space<semaphore_mem>> -> memref<1x!tpu.dma_semaphore, #tpu.memory_space<semaphore_mem>>
      %dma_wait3A_705 = tpu.memref_squeeze %dma_wait3A_704 : memref<1x!tpu.dma_semaphore, #tpu.memory_space<semaphore_mem>> -> memref<!tpu.dma_semaphore, #tpu.memory_space<semaphore_mem>>
      tpu.wait_indirect_dma semaphore(%dma_wait3A_705 : memref<!tpu.dma_semaphore, #tpu.memory_space<semaphore_mem>>) src(%dma_wait3A_703 : memref<100000x128xf32, #tpu.memory_space<hbm>>) dst(%dma_wait3A_697 : memref<128x128xf32, #tpu.memory_space<vmem>>)
      %dma_start3A_706 = arith.constant 0 : i32
      %dma_start3A_707 = arith.constant 0 : i32
      %dma_start3A_708 = arith.constant 0 : i32
      %dma_start3A_709 = arith.constant 0 : i32
      %dma_start3A_710 = tpu.memref_slice %arg6[%dma_start3A_706, %dma_start3A_708, %dma_start3A_709] : memref<5x128x128xf32, #tpu.memory_space<vmem>> -> memref<1x128x128xf32, #tpu.memory_space<vmem>>
      %dma_start3A_711 = tpu.memref_squeeze %dma_start3A_710 : memref<1x128x128xf32, #tpu.memory_space<vmem>> -> memref<128x128xf32, #tpu.memory_space<vmem>>
      %dma_start3A_712 = arith.constant 0 : i32
      %dma_start3A_713 = tpu.memref_slice %arg4[%add3A_691, %mul3A_2, %dma_start3A_712] : memref<50x4096x128xf32, #tpu.memory_space<hbm>> -> memref<1x128x128xf32, #tpu.memory_space<hbm>>
      %dma_start3A_714 = tpu.memref_squeeze %dma_start3A_713 : memref<1x128x128xf32, #tpu.memory_space<hbm>> -> memref<128x128xf32, #tpu.memory_space<hbm>>
      %dma_start3A_715 = tpu.memref_slice %arg8[%dma_start3A_707] : memref<5x!tpu.dma_semaphore, #tpu.memory_space<semaphore_mem>> -> memref<1x!tpu.dma_semaphore, #tpu.memory_space<semaphore_mem>>
      %dma_start3A_716 = tpu.memref_squeeze %dma_start3A_715 : memref<1x!tpu.dma_semaphore, #tpu.memory_space<semaphore_mem>> -> memref<!tpu.dma_semaphore, #tpu.memory_space<semaphore_mem>>
      %dma_start3A_717 = arith.constant 0 : i32
      %dma_start3A_718 = tpu.memref_slice %arg4[%add3A_691, %mul3A_2, %dma_start3A_717] : memref<50x4096x128xf32, #tpu.memory_space<hbm>> -> memref<1x128x128xf32, #tpu.memory_space<hbm>>
      %dma_start3A_719 = tpu.memref_squeeze %dma_start3A_718 : memref<1x128x128xf32, #tpu.memory_space<hbm>> -> memref<128x128xf32, #tpu.memory_space<hbm>>
      %dma_start3A_720 = arith.constant 0 : i32
      %dma_start3A_721 = arith.constant 0 : i32
      %dma_start3A_722 = tpu.memref_slice %arg6[%dma_start3A_706, %dma_start3A_720, %dma_start3A_721] : memref<5x128x128xf32, #tpu.memory_space<vmem>> -> memref<1x128x128xf32, #tpu.memory_space<vmem>>
      %dma_start3A_723 = tpu.memref_squeeze %dma_start3A_722 : memref<1x128x128xf32, #tpu.memory_space<vmem>> -> memref<128x128xf32, #tpu.memory_space<vmem>>
      tpu.enqueue_dma source(%dma_start3A_723 : memref<128x128xf32, #tpu.memory_space<vmem>>) target(%dma_start3A_719 : memref<128x128xf32, #tpu.memory_space<hbm>>) target_semaphore(%dma_start3A_716 : memref<!tpu.dma_semaphore, #tpu.memory_space<semaphore_mem>>)
      %add3A_724 = arith.constant 4 : i32
      %add3A_725 = arith.addi %add3A_691, %add3A_724 : i32
      %sub3A = arith.constant 5 : i32
      %sub3A_726 = arith.subi %add3A_725, %sub3A : i32
      %dma_wait3A_727 = arith.constant 4 : i32
      %dma_wait3A_728 = arith.constant 4 : i32
      %dma_wait3A_729 = arith.constant 0 : i32
      %dma_wait3A_730 = arith.constant 0 : i32
      %dma_wait3A_731 = tpu.memref_slice %arg6[%dma_wait3A_727, %dma_wait3A_729, %dma_wait3A_730] : memref<5x128x128xf32, #tpu.memory_space<vmem>> -> memref<1x128x128xf32, #tpu.memory_space<vmem>>
      %dma_wait3A_732 = tpu.memref_squeeze %dma_wait3A_731 : memref<1x128x128xf32, #tpu.memory_space<vmem>> -> memref<128x128xf32, #tpu.memory_space<vmem>>
      %dma_wait3A_733 = arith.constant 0 : i32
      %dma_wait3A_734 = tpu.memref_slice %arg4[%sub3A_726, %mul3A_2, %dma_wait3A_733] : memref<50x4096x128xf32, #tpu.memory_space<hbm>> -> memref<1x128x128xf32, #tpu.memory_space<hbm>>
      %dma_wait3A_735 = tpu.memref_squeeze %dma_wait3A_734 : memref<1x128x128xf32, #tpu.memory_space<hbm>> -> memref<128x128xf32, #tpu.memory_space<hbm>>
      %dma_wait3A_736 = tpu.memref_slice %arg8[%dma_wait3A_728] : memref<5x!tpu.dma_semaphore, #tpu.memory_space<semaphore_mem>> -> memref<1x!tpu.dma_semaphore, #tpu.memory_space<semaphore_mem>>
      %dma_wait3A_737 = tpu.memref_squeeze %dma_wait3A_736 : memref<1x!tpu.dma_semaphore, #tpu.memory_space<semaphore_mem>> -> memref<!tpu.dma_semaphore, #tpu.memory_space<semaphore_mem>>
      %dma_wait3A_738 = arith.constant 0 : i32
      %dma_wait3A_739 = tpu.memref_slice %arg4[%sub3A_726, %mul3A_2, %dma_wait3A_738] : memref<50x4096x128xf32, #tpu.memory_space<hbm>> -> memref<1x128x128xf32, #tpu.memory_space<hbm>>
      %dma_wait3A_740 = tpu.memref_squeeze %dma_wait3A_739 : memref<1x128x128xf32, #tpu.memory_space<hbm>> -> memref<128x128xf32, #tpu.memory_space<hbm>>
      %dma_wait3A_741 = arith.constant 0 : i32
      %dma_wait3A_742 = arith.constant 0 : i32
      %dma_wait3A_743 = tpu.memref_slice %arg6[%dma_wait3A_727, %dma_wait3A_741, %dma_wait3A_742] : memref<5x128x128xf32, #tpu.memory_space<vmem>> -> memref<1x128x128xf32, #tpu.memory_space<vmem>>
      %dma_wait3A_744 = tpu.memref_squeeze %dma_wait3A_743 : memref<1x128x128xf32, #tpu.memory_space<vmem>> -> memref<128x128xf32, #tpu.memory_space<vmem>>
      tpu.wait_dma2 semaphore(%dma_wait3A_737 : memref<!tpu.dma_semaphore, #tpu.memory_space<semaphore_mem>>) src(%dma_wait3A_744 : memref<128x128xf32, #tpu.memory_space<vmem>>) dst(%dma_wait3A_740 : memref<128x128xf32, #tpu.memory_space<hbm>>)
      %dma_start3A_745 = arith.constant 4 : i32
      %dma_start3A_746 = arith.constant 4 : i32
      %dma_start3A_747 = arith.constant 0 : i32
      %dma_start3A_748 = arith.constant 0 : i32
      %dma_start3A_749 = tpu.memref_slice %arg6[%dma_start3A_745, %dma_start3A_747, %dma_start3A_748] : memref<5x128x128xf32, #tpu.memory_space<vmem>> -> memref<1x128x128xf32, #tpu.memory_space<vmem>>
      %dma_start3A_750 = tpu.memref_squeeze %dma_start3A_749 : memref<1x128x128xf32, #tpu.memory_space<vmem>> -> memref<128x128xf32, #tpu.memory_space<vmem>>
      %dma_start3A_751 = arith.constant 0 : i32
      %dma_start3A_752 = tpu.memref_slice %arg5[%add3A_725, %dma_start3A_751] : memref<50x128xi32, #tpu.memory_space<vmem>> -> memref<1x128xi32, #tpu.memory_space<vmem>>
      %dma_start3A_753 = tpu.memref_squeeze %dma_start3A_752 : memref<1x128xi32, #tpu.memory_space<vmem>> -> memref<128xi32, #tpu.memory_space<vmem>>
      %dma_start3A_754 = arith.constant 0 : i32
      %dma_start3A_755 = arith.constant 0 : i32
      %dma_start3A_756 = tpu.memref_slice %arg3[%dma_start3A_754, %dma_start3A_755] : memref<100000x128xf32, #tpu.memory_space<hbm>> -> memref<100000x128xf32, #tpu.memory_space<hbm>>
      %dma_start3A_757 = tpu.memref_slice %arg7[%dma_start3A_746] : memref<5x!tpu.dma_semaphore, #tpu.memory_space<semaphore_mem>> -> memref<1x!tpu.dma_semaphore, #tpu.memory_space<semaphore_mem>>
      %dma_start3A_758 = tpu.memref_squeeze %dma_start3A_757 : memref<1x!tpu.dma_semaphore, #tpu.memory_space<semaphore_mem>> -> memref<!tpu.dma_semaphore, #tpu.memory_space<semaphore_mem>>
      tpu.enqueue_indirect_dma source(%dma_start3A_756 : memref<100000x128xf32, #tpu.memory_space<hbm>>) target(%dma_start3A_750 : memref<128x128xf32, #tpu.memory_space<vmem>>) offsets(%dma_start3A_753 : memref<128xi32, #tpu.memory_space<vmem>>) semaphore(%dma_start3A_758 : memref<!tpu.dma_semaphore, #tpu.memory_space<semaphore_mem>>)
      %add3A_759 = arith.constant 1 : i32
      %add3A_760 = arith.addi %add3A_689, %add3A_759 : i32
      %dma_wait3A_761 = arith.constant 1 : i32
      %dma_wait3A_762 = arith.constant 1 : i32
      %dma_wait3A_763 = arith.constant 0 : i32
      %dma_wait3A_764 = arith.constant 0 : i32
      %dma_wait3A_765 = tpu.memref_slice %arg6[%dma_wait3A_761, %dma_wait3A_763, %dma_wait3A_764] : memref<5x128x128xf32, #tpu.memory_space<vmem>> -> memref<1x128x128xf32, #tpu.memory_space<vmem>>
      %dma_wait3A_766 = tpu.memref_squeeze %dma_wait3A_765 : memref<1x128x128xf32, #tpu.memory_space<vmem>> -> memref<128x128xf32, #tpu.memory_space<vmem>>
      %dma_wait3A_767 = arith.constant 0 : i32
      %dma_wait3A_768 = tpu.memref_slice %arg5[%add3A_760, %dma_wait3A_767] : memref<50x128xi32, #tpu.memory_space<vmem>> -> memref<1x128xi32, #tpu.memory_space<vmem>>
      %dma_wait3A_769 = tpu.memref_squeeze %dma_wait3A_768 : memref<1x128xi32, #tpu.memory_space<vmem>> -> memref<128xi32, #tpu.memory_space<vmem>>
      %dma_wait3A_770 = arith.constant 0 : i32
      %dma_wait3A_771 = arith.constant 0 : i32
      %dma_wait3A_772 = tpu.memref_slice %arg3[%dma_wait3A_770, %dma_wait3A_771] : memref<100000x128xf32, #tpu.memory_space<hbm>> -> memref<100000x128xf32, #tpu.memory_space<hbm>>
      %dma_wait3A_773 = tpu.memref_slice %arg7[%dma_wait3A_762] : memref<5x!tpu.dma_semaphore, #tpu.memory_space<semaphore_mem>> -> memref<1x!tpu.dma_semaphore, #tpu.memory_space<semaphore_mem>>
      %dma_wait3A_774 = tpu.memref_squeeze %dma_wait3A_773 : memref<1x!tpu.dma_semaphore, #tpu.memory_space<semaphore_mem>> -> memref<!tpu.dma_semaphore, #tpu.memory_space<semaphore_mem>>
      tpu.wait_indirect_dma semaphore(%dma_wait3A_774 : memref<!tpu.dma_semaphore, #tpu.memory_space<semaphore_mem>>) src(%dma_wait3A_772 : memref<100000x128xf32, #tpu.memory_space<hbm>>) dst(%dma_wait3A_766 : memref<128x128xf32, #tpu.memory_space<vmem>>)
      %dma_start3A_775 = arith.constant 1 : i32
      %dma_start3A_776 = arith.constant 1 : i32
      %dma_start3A_777 = arith.constant 0 : i32
      %dma_start3A_778 = arith.constant 0 : i32
      %dma_start3A_779 = tpu.memref_slice %arg6[%dma_start3A_775, %dma_start3A_777, %dma_start3A_778] : memref<5x128x128xf32, #tpu.memory_space<vmem>> -> memref<1x128x128xf32, #tpu.memory_space<vmem>>
      %dma_start3A_780 = tpu.memref_squeeze %dma_start3A_779 : memref<1x128x128xf32, #tpu.memory_space<vmem>> -> memref<128x128xf32, #tpu.memory_space<vmem>>
      %dma_start3A_781 = arith.constant 0 : i32
      %dma_start3A_782 = tpu.memref_slice %arg4[%add3A_760, %mul3A_2, %dma_start3A_781] : memref<50x4096x128xf32, #tpu.memory_space<hbm>> -> memref<1x128x128xf32, #tpu.memory_space<hbm>>
      %dma_start3A_783 = tpu.memref_squeeze %dma_start3A_782 : memref<1x128x128xf32, #tpu.memory_space<hbm>> -> memref<128x128xf32, #tpu.memory_space<hbm>>
      %dma_start3A_784 = tpu.memref_slice %arg8[%dma_start3A_776] : memref<5x!tpu.dma_semaphore, #tpu.memory_space<semaphore_mem>> -> memref<1x!tpu.dma_semaphore, #tpu.memory_space<semaphore_mem>>
      %dma_start3A_785 = tpu.memref_squeeze %dma_start3A_784 : memref<1x!tpu.dma_semaphore, #tpu.memory_space<semaphore_mem>> -> memref<!tpu.dma_semaphore, #tpu.memory_space<semaphore_mem>>
      %dma_start3A_786 = arith.constant 0 : i32
      %dma_start3A_787 = tpu.memref_slice %arg4[%add3A_760, %mul3A_2, %dma_start3A_786] : memref<50x4096x128xf32, #tpu.memory_space<hbm>> -> memref<1x128x128xf32, #tpu.memory_space<hbm>>
      %dma_start3A_788 = tpu.memref_squeeze %dma_start3A_787 : memref<1x128x128xf32, #tpu.memory_space<hbm>> -> memref<128x128xf32, #tpu.memory_space<hbm>>
      %dma_start3A_789 = arith.constant 0 : i32
      %dma_start3A_790 = arith.constant 0 : i32
      %dma_start3A_791 = tpu.memref_slice %arg6[%dma_start3A_775, %dma_start3A_789, %dma_start3A_790] : memref<5x128x128xf32, #tpu.memory_space<vmem>> -> memref<1x128x128xf32, #tpu.memory_space<vmem>>
      %dma_start3A_792 = tpu.memref_squeeze %dma_start3A_791 : memref<1x128x128xf32, #tpu.memory_space<vmem>> -> memref<128x128xf32, #tpu.memory_space<vmem>>
      tpu.enqueue_dma source(%dma_start3A_792 : memref<128x128xf32, #tpu.memory_space<vmem>>) target(%dma_start3A_788 : memref<128x128xf32, #tpu.memory_space<hbm>>) target_semaphore(%dma_start3A_785 : memref<!tpu.dma_semaphore, #tpu.memory_space<semaphore_mem>>)
      %add3A_793 = arith.constant 4 : i32
      %add3A_794 = arith.addi %add3A_760, %add3A_793 : i32
      %sub3A_795 = arith.constant 5 : i32
      %sub3A_796 = arith.subi %add3A_794, %sub3A_795 : i32
      %dma_wait3A_797 = arith.constant 0 : i32
      %dma_wait3A_798 = arith.constant 0 : i32
      %dma_wait3A_799 = arith.constant 0 : i32
      %dma_wait3A_800 = arith.constant 0 : i32
      %dma_wait3A_801 = tpu.memref_slice %arg6[%dma_wait3A_797, %dma_wait3A_799, %dma_wait3A_800] : memref<5x128x128xf32, #tpu.memory_space<vmem>> -> memref<1x128x128xf32, #tpu.memory_space<vmem>>
      %dma_wait3A_802 = tpu.memref_squeeze %dma_wait3A_801 : memref<1x128x128xf32, #tpu.memory_space<vmem>> -> memref<128x128xf32, #tpu.memory_space<vmem>>
      %dma_wait3A_803 = arith.constant 0 : i32
      %dma_wait3A_804 = tpu.memref_slice %arg4[%sub3A_796, %mul3A_2, %dma_wait3A_803] : memref<50x4096x128xf32, #tpu.memory_space<hbm>> -> memref<1x128x128xf32, #tpu.memory_space<hbm>>
      %dma_wait3A_805 = tpu.memref_squeeze %dma_wait3A_804 : memref<1x128x128xf32, #tpu.memory_space<hbm>> -> memref<128x128xf32, #tpu.memory_space<hbm>>
      %dma_wait3A_806 = tpu.memref_slice %arg8[%dma_wait3A_798] : memref<5x!tpu.dma_semaphore, #tpu.memory_space<semaphore_mem>> -> memref<1x!tpu.dma_semaphore, #tpu.memory_space<semaphore_mem>>
      %dma_wait3A_807 = tpu.memref_squeeze %dma_wait3A_806 : memref<1x!tpu.dma_semaphore, #tpu.memory_space<semaphore_mem>> -> memref<!tpu.dma_semaphore, #tpu.memory_space<semaphore_mem>>
      %dma_wait3A_808 = arith.constant 0 : i32
      %dma_wait3A_809 = tpu.memref_slice %arg4[%sub3A_796, %mul3A_2, %dma_wait3A_808] : memref<50x4096x128xf32, #tpu.memory_space<hbm>> -> memref<1x128x128xf32, #tpu.memory_space<hbm>>
      %dma_wait3A_810 = tpu.memref_squeeze %dma_wait3A_809 : memref<1x128x128xf32, #tpu.memory_space<hbm>> -> memref<128x128xf32, #tpu.memory_space<hbm>>
      %dma_wait3A_811 = arith.constant 0 : i32
      %dma_wait3A_812 = arith.constant 0 : i32
      %dma_wait3A_813 = tpu.memref_slice %arg6[%dma_wait3A_797, %dma_wait3A_811, %dma_wait3A_812] : memref<5x128x128xf32, #tpu.memory_space<vmem>> -> memref<1x128x128xf32, #tpu.memory_space<vmem>>
      %dma_wait3A_814 = tpu.memref_squeeze %dma_wait3A_813 : memref<1x128x128xf32, #tpu.memory_space<vmem>> -> memref<128x128xf32, #tpu.memory_space<vmem>>
      tpu.wait_dma2 semaphore(%dma_wait3A_807 : memref<!tpu.dma_semaphore, #tpu.memory_space<semaphore_mem>>) src(%dma_wait3A_814 : memref<128x128xf32, #tpu.memory_space<vmem>>) dst(%dma_wait3A_810 : memref<128x128xf32, #tpu.memory_space<hbm>>)
      %dma_start3A_815 = arith.constant 0 : i32
      %dma_start3A_816 = arith.constant 0 : i32
      %dma_start3A_817 = arith.constant 0 : i32
      %dma_start3A_818 = arith.constant 0 : i32
      %dma_start3A_819 = tpu.memref_slice %arg6[%dma_start3A_815, %dma_start3A_817, %dma_start3A_818] : memref<5x128x128xf32, #tpu.memory_space<vmem>> -> memref<1x128x128xf32, #tpu.memory_space<vmem>>
      %dma_start3A_820 = tpu.memref_squeeze %dma_start3A_819 : memref<1x128x128xf32, #tpu.memory_space<vmem>> -> memref<128x128xf32, #tpu.memory_space<vmem>>
      %dma_start3A_821 = arith.constant 0 : i32
      %dma_start3A_822 = tpu.memref_slice %arg5[%add3A_794, %dma_start3A_821] : memref<50x128xi32, #tpu.memory_space<vmem>> -> memref<1x128xi32, #tpu.memory_space<vmem>>
      %dma_start3A_823 = tpu.memref_squeeze %dma_start3A_822 : memref<1x128xi32, #tpu.memory_space<vmem>> -> memref<128xi32, #tpu.memory_space<vmem>>
      %dma_start3A_824 = arith.constant 0 : i32
      %dma_start3A_825 = arith.constant 0 : i32
      %dma_start3A_826 = tpu.memref_slice %arg3[%dma_start3A_824, %dma_start3A_825] : memref<100000x128xf32, #tpu.memory_space<hbm>> -> memref<100000x128xf32, #tpu.memory_space<hbm>>
      %dma_start3A_827 = tpu.memref_slice %arg7[%dma_start3A_816] : memref<5x!tpu.dma_semaphore, #tpu.memory_space<semaphore_mem>> -> memref<1x!tpu.dma_semaphore, #tpu.memory_space<semaphore_mem>>
      %dma_start3A_828 = tpu.memref_squeeze %dma_start3A_827 : memref<1x!tpu.dma_semaphore, #tpu.memory_space<semaphore_mem>> -> memref<!tpu.dma_semaphore, #tpu.memory_space<semaphore_mem>>
      tpu.enqueue_indirect_dma source(%dma_start3A_826 : memref<100000x128xf32, #tpu.memory_space<hbm>>) target(%dma_start3A_820 : memref<128x128xf32, #tpu.memory_space<vmem>>) offsets(%dma_start3A_823 : memref<128xi32, #tpu.memory_space<vmem>>) semaphore(%dma_start3A_828 : memref<!tpu.dma_semaphore, #tpu.memory_space<semaphore_mem>>)
      %add3A_829 = arith.constant 2 : i32
      %add3A_830 = arith.addi %add3A_689, %add3A_829 : i32
      %dma_wait3A_831 = arith.constant 2 : i32
      %dma_wait3A_832 = arith.constant 2 : i32
      %dma_wait3A_833 = arith.constant 0 : i32
      %dma_wait3A_834 = arith.constant 0 : i32
      %dma_wait3A_835 = tpu.memref_slice %arg6[%dma_wait3A_831, %dma_wait3A_833, %dma_wait3A_834] : memref<5x128x128xf32, #tpu.memory_space<vmem>> -> memref<1x128x128xf32, #tpu.memory_space<vmem>>
      %dma_wait3A_836 = tpu.memref_squeeze %dma_wait3A_835 : memref<1x128x128xf32, #tpu.memory_space<vmem>> -> memref<128x128xf32, #tpu.memory_space<vmem>>
      %dma_wait3A_837 = arith.constant 0 : i32
      %dma_wait3A_838 = tpu.memref_slice %arg5[%add3A_830, %dma_wait3A_837] : memref<50x128xi32, #tpu.memory_space<vmem>> -> memref<1x128xi32, #tpu.memory_space<vmem>>
      %dma_wait3A_839 = tpu.memref_squeeze %dma_wait3A_838 : memref<1x128xi32, #tpu.memory_space<vmem>> -> memref<128xi32, #tpu.memory_space<vmem>>
      %dma_wait3A_840 = arith.constant 0 : i32
      %dma_wait3A_841 = arith.constant 0 : i32
      %dma_wait3A_842 = tpu.memref_slice %arg3[%dma_wait3A_840, %dma_wait3A_841] : memref<100000x128xf32, #tpu.memory_space<hbm>> -> memref<100000x128xf32, #tpu.memory_space<hbm>>
      %dma_wait3A_843 = tpu.memref_slice %arg7[%dma_wait3A_832] : memref<5x!tpu.dma_semaphore, #tpu.memory_space<semaphore_mem>> -> memref<1x!tpu.dma_semaphore, #tpu.memory_space<semaphore_mem>>
      %dma_wait3A_844 = tpu.memref_squeeze %dma_wait3A_843 : memref<1x!tpu.dma_semaphore, #tpu.memory_space<semaphore_mem>> -> memref<!tpu.dma_semaphore, #tpu.memory_space<semaphore_mem>>
      tpu.wait_indirect_dma semaphore(%dma_wait3A_844 : memref<!tpu.dma_semaphore, #tpu.memory_space<semaphore_mem>>) src(%dma_wait3A_842 : memref<100000x128xf32, #tpu.memory_space<hbm>>) dst(%dma_wait3A_836 : memref<128x128xf32, #tpu.memory_space<vmem>>)
      %dma_start3A_845 = arith.constant 2 : i32
      %dma_start3A_846 = arith.constant 2 : i32
      %dma_start3A_847 = arith.constant 0 : i32
      %dma_start3A_848 = arith.constant 0 : i32
      %dma_start3A_849 = tpu.memref_slice %arg6[%dma_start3A_845, %dma_start3A_847, %dma_start3A_848] : memref<5x128x128xf32, #tpu.memory_space<vmem>> -> memref<1x128x128xf32, #tpu.memory_space<vmem>>
      %dma_start3A_850 = tpu.memref_squeeze %dma_start3A_849 : memref<1x128x128xf32, #tpu.memory_space<vmem>> -> memref<128x128xf32, #tpu.memory_space<vmem>>
      %dma_start3A_851 = arith.constant 0 : i32
      %dma_start3A_852 = tpu.memref_slice %arg4[%add3A_830, %mul3A_2, %dma_start3A_851] : memref<50x4096x128xf32, #tpu.memory_space<hbm>> -> memref<1x128x128xf32, #tpu.memory_space<hbm>>
      %dma_start3A_853 = tpu.memref_squeeze %dma_start3A_852 : memref<1x128x128xf32, #tpu.memory_space<hbm>> -> memref<128x128xf32, #tpu.memory_space<hbm>>
      %dma_start3A_854 = tpu.memref_slice %arg8[%dma_start3A_846] : memref<5x!tpu.dma_semaphore, #tpu.memory_space<semaphore_mem>> -> memref<1x!tpu.dma_semaphore, #tpu.memory_space<semaphore_mem>>
      %dma_start3A_855 = tpu.memref_squeeze %dma_start3A_854 : memref<1x!tpu.dma_semaphore, #tpu.memory_space<semaphore_mem>> -> memref<!tpu.dma_semaphore, #tpu.memory_space<semaphore_mem>>
      %dma_start3A_856 = arith.constant 0 : i32
      %dma_start3A_857 = tpu.memref_slice %arg4[%add3A_830, %mul3A_2, %dma_start3A_856] : memref<50x4096x128xf32, #tpu.memory_space<hbm>> -> memref<1x128x128xf32, #tpu.memory_space<hbm>>
      %dma_start3A_858 = tpu.memref_squeeze %dma_start3A_857 : memref<1x128x128xf32, #tpu.memory_space<hbm>> -> memref<128x128xf32, #tpu.memory_space<hbm>>
      %dma_start3A_859 = arith.constant 0 : i32
      %dma_start3A_860 = arith.constant 0 : i32
      %dma_start3A_861 = tpu.memref_slice %arg6[%dma_start3A_845, %dma_start3A_859, %dma_start3A_860] : memref<5x128x128xf32, #tpu.memory_space<vmem>> -> memref<1x128x128xf32, #tpu.memory_space<vmem>>
      %dma_start3A_862 = tpu.memref_squeeze %dma_start3A_861 : memref<1x128x128xf32, #tpu.memory_space<vmem>> -> memref<128x128xf32, #tpu.memory_space<vmem>>
      tpu.enqueue_dma source(%dma_start3A_862 : memref<128x128xf32, #tpu.memory_space<vmem>>) target(%dma_start3A_858 : memref<128x128xf32, #tpu.memory_space<hbm>>) target_semaphore(%dma_start3A_855 : memref<!tpu.dma_semaphore, #tpu.memory_space<semaphore_mem>>)
      %add3A_863 = arith.constant 4 : i32
      %add3A_864 = arith.addi %add3A_830, %add3A_863 : i32
      %sub3A_865 = arith.constant 5 : i32
      %sub3A_866 = arith.subi %add3A_864, %sub3A_865 : i32
      %dma_wait3A_867 = arith.constant 1 : i32
      %dma_wait3A_868 = arith.constant 1 : i32
      %dma_wait3A_869 = arith.constant 0 : i32
      %dma_wait3A_870 = arith.constant 0 : i32
      %dma_wait3A_871 = tpu.memref_slice %arg6[%dma_wait3A_867, %dma_wait3A_869, %dma_wait3A_870] : memref<5x128x128xf32, #tpu.memory_space<vmem>> -> memref<1x128x128xf32, #tpu.memory_space<vmem>>
      %dma_wait3A_872 = tpu.memref_squeeze %dma_wait3A_871 : memref<1x128x128xf32, #tpu.memory_space<vmem>> -> memref<128x128xf32, #tpu.memory_space<vmem>>
      %dma_wait3A_873 = arith.constant 0 : i32
      %dma_wait3A_874 = tpu.memref_slice %arg4[%sub3A_866, %mul3A_2, %dma_wait3A_873] : memref<50x4096x128xf32, #tpu.memory_space<hbm>> -> memref<1x128x128xf32, #tpu.memory_space<hbm>>
      %dma_wait3A_875 = tpu.memref_squeeze %dma_wait3A_874 : memref<1x128x128xf32, #tpu.memory_space<hbm>> -> memref<128x128xf32, #tpu.memory_space<hbm>>
      %dma_wait3A_876 = tpu.memref_slice %arg8[%dma_wait3A_868] : memref<5x!tpu.dma_semaphore, #tpu.memory_space<semaphore_mem>> -> memref<1x!tpu.dma_semaphore, #tpu.memory_space<semaphore_mem>>
      %dma_wait3A_877 = tpu.memref_squeeze %dma_wait3A_876 : memref<1x!tpu.dma_semaphore, #tpu.memory_space<semaphore_mem>> -> memref<!tpu.dma_semaphore, #tpu.memory_space<semaphore_mem>>
      %dma_wait3A_878 = arith.constant 0 : i32
      %dma_wait3A_879 = tpu.memref_slice %arg4[%sub3A_866, %mul3A_2, %dma_wait3A_878] : memref<50x4096x128xf32, #tpu.memory_space<hbm>> -> memref<1x128x128xf32, #tpu.memory_space<hbm>>
      %dma_wait3A_880 = tpu.memref_squeeze %dma_wait3A_879 : memref<1x128x128xf32, #tpu.memory_space<hbm>> -> memref<128x128xf32, #tpu.memory_space<hbm>>
      %dma_wait3A_881 = arith.constant 0 : i32
      %dma_wait3A_882 = arith.constant 0 : i32
      %dma_wait3A_883 = tpu.memref_slice %arg6[%dma_wait3A_867, %dma_wait3A_881, %dma_wait3A_882] : memref<5x128x128xf32, #tpu.memory_space<vmem>> -> memref<1x128x128xf32, #tpu.memory_space<vmem>>
      %dma_wait3A_884 = tpu.memref_squeeze %dma_wait3A_883 : memref<1x128x128xf32, #tpu.memory_space<vmem>> -> memref<128x128xf32, #tpu.memory_space<vmem>>
      tpu.wait_dma2 semaphore(%dma_wait3A_877 : memref<!tpu.dma_semaphore, #tpu.memory_space<semaphore_mem>>) src(%dma_wait3A_884 : memref<128x128xf32, #tpu.memory_space<vmem>>) dst(%dma_wait3A_880 : memref<128x128xf32, #tpu.memory_space<hbm>>)
      %dma_start3A_885 = arith.constant 1 : i32
      %dma_start3A_886 = arith.constant 1 : i32
      %dma_start3A_887 = arith.constant 0 : i32
      %dma_start3A_888 = arith.constant 0 : i32
      %dma_start3A_889 = tpu.memref_slice %arg6[%dma_start3A_885, %dma_start3A_887, %dma_start3A_888] : memref<5x128x128xf32, #tpu.memory_space<vmem>> -> memref<1x128x128xf32, #tpu.memory_space<vmem>>
      %dma_start3A_890 = tpu.memref_squeeze %dma_start3A_889 : memref<1x128x128xf32, #tpu.memory_space<vmem>> -> memref<128x128xf32, #tpu.memory_space<vmem>>
      %dma_start3A_891 = arith.constant 0 : i32
      %dma_start3A_892 = tpu.memref_slice %arg5[%add3A_864, %dma_start3A_891] : memref<50x128xi32, #tpu.memory_space<vmem>> -> memref<1x128xi32, #tpu.memory_space<vmem>>
      %dma_start3A_893 = tpu.memref_squeeze %dma_start3A_892 : memref<1x128xi32, #tpu.memory_space<vmem>> -> memref<128xi32, #tpu.memory_space<vmem>>
      %dma_start3A_894 = arith.constant 0 : i32
      %dma_start3A_895 = arith.constant 0 : i32
      %dma_start3A_896 = tpu.memref_slice %arg3[%dma_start3A_894, %dma_start3A_895] : memref<100000x128xf32, #tpu.memory_space<hbm>> -> memref<100000x128xf32, #tpu.memory_space<hbm>>
      %dma_start3A_897 = tpu.memref_slice %arg7[%dma_start3A_886] : memref<5x!tpu.dma_semaphore, #tpu.memory_space<semaphore_mem>> -> memref<1x!tpu.dma_semaphore, #tpu.memory_space<semaphore_mem>>
      %dma_start3A_898 = tpu.memref_squeeze %dma_start3A_897 : memref<1x!tpu.dma_semaphore, #tpu.memory_space<semaphore_mem>> -> memref<!tpu.dma_semaphore, #tpu.memory_space<semaphore_mem>>
      tpu.enqueue_indirect_dma source(%dma_start3A_896 : memref<100000x128xf32, #tpu.memory_space<hbm>>) target(%dma_start3A_890 : memref<128x128xf32, #tpu.memory_space<vmem>>) offsets(%dma_start3A_893 : memref<128xi32, #tpu.memory_space<vmem>>) semaphore(%dma_start3A_898 : memref<!tpu.dma_semaphore, #tpu.memory_space<semaphore_mem>>)
      %add3A_899 = arith.constant 3 : i32
      %add3A_900 = arith.addi %add3A_689, %add3A_899 : i32
      %dma_wait3A_901 = arith.constant 3 : i32
      %dma_wait3A_902 = arith.constant 3 : i32
      %dma_wait3A_903 = arith.constant 0 : i32
      %dma_wait3A_904 = arith.constant 0 : i32
      %dma_wait3A_905 = tpu.memref_slice %arg6[%dma_wait3A_901, %dma_wait3A_903, %dma_wait3A_904] : memref<5x128x128xf32, #tpu.memory_space<vmem>> -> memref<1x128x128xf32, #tpu.memory_space<vmem>>
      %dma_wait3A_906 = tpu.memref_squeeze %dma_wait3A_905 : memref<1x128x128xf32, #tpu.memory_space<vmem>> -> memref<128x128xf32, #tpu.memory_space<vmem>>
      %dma_wait3A_907 = arith.constant 0 : i32
      %dma_wait3A_908 = tpu.memref_slice %arg5[%add3A_900, %dma_wait3A_907] : memref<50x128xi32, #tpu.memory_space<vmem>> -> memref<1x128xi32, #tpu.memory_space<vmem>>
      %dma_wait3A_909 = tpu.memref_squeeze %dma_wait3A_908 : memref<1x128xi32, #tpu.memory_space<vmem>> -> memref<128xi32, #tpu.memory_space<vmem>>
      %dma_wait3A_910 = arith.constant 0 : i32
      %dma_wait3A_911 = arith.constant 0 : i32
      %dma_wait3A_912 = tpu.memref_slice %arg3[%dma_wait3A_910, %dma_wait3A_911] : memref<100000x128xf32, #tpu.memory_space<hbm>> -> memref<100000x128xf32, #tpu.memory_space<hbm>>
      %dma_wait3A_913 = tpu.memref_slice %arg7[%dma_wait3A_902] : memref<5x!tpu.dma_semaphore, #tpu.memory_space<semaphore_mem>> -> memref<1x!tpu.dma_semaphore, #tpu.memory_space<semaphore_mem>>
      %dma_wait3A_914 = tpu.memref_squeeze %dma_wait3A_913 : memref<1x!tpu.dma_semaphore, #tpu.memory_space<semaphore_mem>> -> memref<!tpu.dma_semaphore, #tpu.memory_space<semaphore_mem>>
      tpu.wait_indirect_dma semaphore(%dma_wait3A_914 : memref<!tpu.dma_semaphore, #tpu.memory_space<semaphore_mem>>) src(%dma_wait3A_912 : memref<100000x128xf32, #tpu.memory_space<hbm>>) dst(%dma_wait3A_906 : memref<128x128xf32, #tpu.memory_space<vmem>>)
      %dma_start3A_915 = arith.constant 3 : i32
      %dma_start3A_916 = arith.constant 3 : i32
      %dma_start3A_917 = arith.constant 0 : i32
      %dma_start3A_918 = arith.constant 0 : i32
      %dma_start3A_919 = tpu.memref_slice %arg6[%dma_start3A_915, %dma_start3A_917, %dma_start3A_918] : memref<5x128x128xf32, #tpu.memory_space<vmem>> -> memref<1x128x128xf32, #tpu.memory_space<vmem>>
      %dma_start3A_920 = tpu.memref_squeeze %dma_start3A_919 : memref<1x128x128xf32, #tpu.memory_space<vmem>> -> memref<128x128xf32, #tpu.memory_space<vmem>>
      %dma_start3A_921 = arith.constant 0 : i32
      %dma_start3A_922 = tpu.memref_slice %arg4[%add3A_900, %mul3A_2, %dma_start3A_921] : memref<50x4096x128xf32, #tpu.memory_space<hbm>> -> memref<1x128x128xf32, #tpu.memory_space<hbm>>
      %dma_start3A_923 = tpu.memref_squeeze %dma_start3A_922 : memref<1x128x128xf32, #tpu.memory_space<hbm>> -> memref<128x128xf32, #tpu.memory_space<hbm>>
      %dma_start3A_924 = tpu.memref_slice %arg8[%dma_start3A_916] : memref<5x!tpu.dma_semaphore, #tpu.memory_space<semaphore_mem>> -> memref<1x!tpu.dma_semaphore, #tpu.memory_space<semaphore_mem>>
      %dma_start3A_925 = tpu.memref_squeeze %dma_start3A_924 : memref<1x!tpu.dma_semaphore, #tpu.memory_space<semaphore_mem>> -> memref<!tpu.dma_semaphore, #tpu.memory_space<semaphore_mem>>
      %dma_start3A_926 = arith.constant 0 : i32
      %dma_start3A_927 = tpu.memref_slice %arg4[%add3A_900, %mul3A_2, %dma_start3A_926] : memref<50x4096x128xf32, #tpu.memory_space<hbm>> -> memref<1x128x128xf32, #tpu.memory_space<hbm>>
      %dma_start3A_928 = tpu.memref_squeeze %dma_start3A_927 : memref<1x128x128xf32, #tpu.memory_space<hbm>> -> memref<128x128xf32, #tpu.memory_space<hbm>>
      %dma_start3A_929 = arith.constant 0 : i32
      %dma_start3A_930 = arith.constant 0 : i32
      %dma_start3A_931 = tpu.memref_slice %arg6[%dma_start3A_915, %dma_start3A_929, %dma_start3A_930] : memref<5x128x128xf32, #tpu.memory_space<vmem>> -> memref<1x128x128xf32, #tpu.memory_space<vmem>>
      %dma_start3A_932 = tpu.memref_squeeze %dma_start3A_931 : memref<1x128x128xf32, #tpu.memory_space<vmem>> -> memref<128x128xf32, #tpu.memory_space<vmem>>
      tpu.enqueue_dma source(%dma_start3A_932 : memref<128x128xf32, #tpu.memory_space<vmem>>) target(%dma_start3A_928 : memref<128x128xf32, #tpu.memory_space<hbm>>) target_semaphore(%dma_start3A_925 : memref<!tpu.dma_semaphore, #tpu.memory_space<semaphore_mem>>)
      %add3A_933 = arith.constant 4 : i32
      %add3A_934 = arith.addi %add3A_900, %add3A_933 : i32
      %sub3A_935 = arith.constant 5 : i32
      %sub3A_936 = arith.subi %add3A_934, %sub3A_935 : i32
      %dma_wait3A_937 = arith.constant 2 : i32
      %dma_wait3A_938 = arith.constant 2 : i32
      %dma_wait3A_939 = arith.constant 0 : i32
      %dma_wait3A_940 = arith.constant 0 : i32
      %dma_wait3A_941 = tpu.memref_slice %arg6[%dma_wait3A_937, %dma_wait3A_939, %dma_wait3A_940] : memref<5x128x128xf32, #tpu.memory_space<vmem>> -> memref<1x128x128xf32, #tpu.memory_space<vmem>>
      %dma_wait3A_942 = tpu.memref_squeeze %dma_wait3A_941 : memref<1x128x128xf32, #tpu.memory_space<vmem>> -> memref<128x128xf32, #tpu.memory_space<vmem>>
      %dma_wait3A_943 = arith.constant 0 : i32
      %dma_wait3A_944 = tpu.memref_slice %arg4[%sub3A_936, %mul3A_2, %dma_wait3A_943] : memref<50x4096x128xf32, #tpu.memory_space<hbm>> -> memref<1x128x128xf32, #tpu.memory_space<hbm>>
      %dma_wait3A_945 = tpu.memref_squeeze %dma_wait3A_944 : memref<1x128x128xf32, #tpu.memory_space<hbm>> -> memref<128x128xf32, #tpu.memory_space<hbm>>
      %dma_wait3A_946 = tpu.memref_slice %arg8[%dma_wait3A_938] : memref<5x!tpu.dma_semaphore, #tpu.memory_space<semaphore_mem>> -> memref<1x!tpu.dma_semaphore, #tpu.memory_space<semaphore_mem>>
      %dma_wait3A_947 = tpu.memref_squeeze %dma_wait3A_946 : memref<1x!tpu.dma_semaphore, #tpu.memory_space<semaphore_mem>> -> memref<!tpu.dma_semaphore, #tpu.memory_space<semaphore_mem>>
      %dma_wait3A_948 = arith.constant 0 : i32
      %dma_wait3A_949 = tpu.memref_slice %arg4[%sub3A_936, %mul3A_2, %dma_wait3A_948] : memref<50x4096x128xf32, #tpu.memory_space<hbm>> -> memref<1x128x128xf32, #tpu.memory_space<hbm>>
      %dma_wait3A_950 = tpu.memref_squeeze %dma_wait3A_949 : memref<1x128x128xf32, #tpu.memory_space<hbm>> -> memref<128x128xf32, #tpu.memory_space<hbm>>
      %dma_wait3A_951 = arith.constant 0 : i32
      %dma_wait3A_952 = arith.constant 0 : i32
      %dma_wait3A_953 = tpu.memref_slice %arg6[%dma_wait3A_937, %dma_wait3A_951, %dma_wait3A_952] : memref<5x128x128xf32, #tpu.memory_space<vmem>> -> memref<1x128x128xf32, #tpu.memory_space<vmem>>
      %dma_wait3A_954 = tpu.memref_squeeze %dma_wait3A_953 : memref<1x128x128xf32, #tpu.memory_space<vmem>> -> memref<128x128xf32, #tpu.memory_space<vmem>>
      tpu.wait_dma2 semaphore(%dma_wait3A_947 : memref<!tpu.dma_semaphore, #tpu.memory_space<semaphore_mem>>) src(%dma_wait3A_954 : memref<128x128xf32, #tpu.memory_space<vmem>>) dst(%dma_wait3A_950 : memref<128x128xf32, #tpu.memory_space<hbm>>)
      %dma_start3A_955 = arith.constant 2 : i32
      %dma_start3A_956 = arith.constant 2 : i32
      %dma_start3A_957 = arith.constant 0 : i32
      %dma_start3A_958 = arith.constant 0 : i32
      %dma_start3A_959 = tpu.memref_slice %arg6[%dma_start3A_955, %dma_start3A_957, %dma_start3A_958] : memref<5x128x128xf32, #tpu.memory_space<vmem>> -> memref<1x128x128xf32, #tpu.memory_space<vmem>>
      %dma_start3A_960 = tpu.memref_squeeze %dma_start3A_959 : memref<1x128x128xf32, #tpu.memory_space<vmem>> -> memref<128x128xf32, #tpu.memory_space<vmem>>
      %dma_start3A_961 = arith.constant 0 : i32
      %dma_start3A_962 = tpu.memref_slice %arg5[%add3A_934, %dma_start3A_961] : memref<50x128xi32, #tpu.memory_space<vmem>> -> memref<1x128xi32, #tpu.memory_space<vmem>>
      %dma_start3A_963 = tpu.memref_squeeze %dma_start3A_962 : memref<1x128xi32, #tpu.memory_space<vmem>> -> memref<128xi32, #tpu.memory_space<vmem>>
      %dma_start3A_964 = arith.constant 0 : i32
      %dma_start3A_965 = arith.constant 0 : i32
      %dma_start3A_966 = tpu.memref_slice %arg3[%dma_start3A_964, %dma_start3A_965] : memref<100000x128xf32, #tpu.memory_space<hbm>> -> memref<100000x128xf32, #tpu.memory_space<hbm>>
      %dma_start3A_967 = tpu.memref_slice %arg7[%dma_start3A_956] : memref<5x!tpu.dma_semaphore, #tpu.memory_space<semaphore_mem>> -> memref<1x!tpu.dma_semaphore, #tpu.memory_space<semaphore_mem>>
      %dma_start3A_968 = tpu.memref_squeeze %dma_start3A_967 : memref<1x!tpu.dma_semaphore, #tpu.memory_space<semaphore_mem>> -> memref<!tpu.dma_semaphore, #tpu.memory_space<semaphore_mem>>
      tpu.enqueue_indirect_dma source(%dma_start3A_966 : memref<100000x128xf32, #tpu.memory_space<hbm>>) target(%dma_start3A_960 : memref<128x128xf32, #tpu.memory_space<vmem>>) offsets(%dma_start3A_963 : memref<128xi32, #tpu.memory_space<vmem>>) semaphore(%dma_start3A_968 : memref<!tpu.dma_semaphore, #tpu.memory_space<semaphore_mem>>)
      %add3A_969 = arith.constant 4 : i32
      %add3A_970 = arith.addi %add3A_689, %add3A_969 : i32
      %dma_wait3A_971 = arith.constant 4 : i32
      %dma_wait3A_972 = arith.constant 4 : i32
      %dma_wait3A_973 = arith.constant 0 : i32
      %dma_wait3A_974 = arith.constant 0 : i32
      %dma_wait3A_975 = tpu.memref_slice %arg6[%dma_wait3A_971, %dma_wait3A_973, %dma_wait3A_974] : memref<5x128x128xf32, #tpu.memory_space<vmem>> -> memref<1x128x128xf32, #tpu.memory_space<vmem>>
      %dma_wait3A_976 = tpu.memref_squeeze %dma_wait3A_975 : memref<1x128x128xf32, #tpu.memory_space<vmem>> -> memref<128x128xf32, #tpu.memory_space<vmem>>
      %dma_wait3A_977 = arith.constant 0 : i32
      %dma_wait3A_978 = tpu.memref_slice %arg5[%add3A_970, %dma_wait3A_977] : memref<50x128xi32, #tpu.memory_space<vmem>> -> memref<1x128xi32, #tpu.memory_space<vmem>>
      %dma_wait3A_979 = tpu.memref_squeeze %dma_wait3A_978 : memref<1x128xi32, #tpu.memory_space<vmem>> -> memref<128xi32, #tpu.memory_space<vmem>>
      %dma_wait3A_980 = arith.constant 0 : i32
      %dma_wait3A_981 = arith.constant 0 : i32
      %dma_wait3A_982 = tpu.memref_slice %arg3[%dma_wait3A_980, %dma_wait3A_981] : memref<100000x128xf32, #tpu.memory_space<hbm>> -> memref<100000x128xf32, #tpu.memory_space<hbm>>
      %dma_wait3A_983 = tpu.memref_slice %arg7[%dma_wait3A_972] : memref<5x!tpu.dma_semaphore, #tpu.memory_space<semaphore_mem>> -> memref<1x!tpu.dma_semaphore, #tpu.memory_space<semaphore_mem>>
      %dma_wait3A_984 = tpu.memref_squeeze %dma_wait3A_983 : memref<1x!tpu.dma_semaphore, #tpu.memory_space<semaphore_mem>> -> memref<!tpu.dma_semaphore, #tpu.memory_space<semaphore_mem>>
      tpu.wait_indirect_dma semaphore(%dma_wait3A_984 : memref<!tpu.dma_semaphore, #tpu.memory_space<semaphore_mem>>) src(%dma_wait3A_982 : memref<100000x128xf32, #tpu.memory_space<hbm>>) dst(%dma_wait3A_976 : memref<128x128xf32, #tpu.memory_space<vmem>>)
      %dma_start3A_985 = arith.constant 4 : i32
      %dma_start3A_986 = arith.constant 4 : i32
      %dma_start3A_987 = arith.constant 0 : i32
      %dma_start3A_988 = arith.constant 0 : i32
      %dma_start3A_989 = tpu.memref_slice %arg6[%dma_start3A_985, %dma_start3A_987, %dma_start3A_988] : memref<5x128x128xf32, #tpu.memory_space<vmem>> -> memref<1x128x128xf32, #tpu.memory_space<vmem>>
      %dma_start3A_990 = tpu.memref_squeeze %dma_start3A_989 : memref<1x128x128xf32, #tpu.memory_space<vmem>> -> memref<128x128xf32, #tpu.memory_space<vmem>>
      %dma_start3A_991 = arith.constant 0 : i32
      %dma_start3A_992 = tpu.memref_slice %arg4[%add3A_970, %mul3A_2, %dma_start3A_991] : memref<50x4096x128xf32, #tpu.memory_space<hbm>> -> memref<1x128x128xf32, #tpu.memory_space<hbm>>
      %dma_start3A_993 = tpu.memref_squeeze %dma_start3A_992 : memref<1x128x128xf32, #tpu.memory_space<hbm>> -> memref<128x128xf32, #tpu.memory_space<hbm>>
      %dma_start3A_994 = tpu.memref_slice %arg8[%dma_start3A_986] : memref<5x!tpu.dma_semaphore, #tpu.memory_space<semaphore_mem>> -> memref<1x!tpu.dma_semaphore, #tpu.memory_space<semaphore_mem>>
      %dma_start3A_995 = tpu.memref_squeeze %dma_start3A_994 : memref<1x!tpu.dma_semaphore, #tpu.memory_space<semaphore_mem>> -> memref<!tpu.dma_semaphore, #tpu.memory_space<semaphore_mem>>
      %dma_start3A_996 = arith.constant 0 : i32
      %dma_start3A_997 = tpu.memref_slice %arg4[%add3A_970, %mul3A_2, %dma_start3A_996] : memref<50x4096x128xf32, #tpu.memory_space<hbm>> -> memref<1x128x128xf32, #tpu.memory_space<hbm>>
      %dma_start3A_998 = tpu.memref_squeeze %dma_start3A_997 : memref<1x128x128xf32, #tpu.memory_space<hbm>> -> memref<128x128xf32, #tpu.memory_space<hbm>>
      %dma_start3A_999 = arith.constant 0 : i32
      %dma_start3A_1000 = arith.constant 0 : i32
      %dma_start3A_1001 = tpu.memref_slice %arg6[%dma_start3A_985, %dma_start3A_999, %dma_start3A_1000] : memref<5x128x128xf32, #tpu.memory_space<vmem>> -> memref<1x128x128xf32, #tpu.memory_space<vmem>>
      %dma_start3A_1002 = tpu.memref_squeeze %dma_start3A_1001 : memref<1x128x128xf32, #tpu.memory_space<vmem>> -> memref<128x128xf32, #tpu.memory_space<vmem>>
      tpu.enqueue_dma source(%dma_start3A_1002 : memref<128x128xf32, #tpu.memory_space<vmem>>) target(%dma_start3A_998 : memref<128x128xf32, #tpu.memory_space<hbm>>) target_semaphore(%dma_start3A_995 : memref<!tpu.dma_semaphore, #tpu.memory_space<semaphore_mem>>)
      %add3A_1003 = arith.constant 4 : i32
      %add3A_1004 = arith.addi %add3A_970, %add3A_1003 : i32
      %sub3A_1005 = arith.constant 5 : i32
      %sub3A_1006 = arith.subi %add3A_1004, %sub3A_1005 : i32
      %dma_wait3A_1007 = arith.constant 3 : i32
      %dma_wait3A_1008 = arith.constant 3 : i32
      %dma_wait3A_1009 = arith.constant 0 : i32
      %dma_wait3A_1010 = arith.constant 0 : i32
      %dma_wait3A_1011 = tpu.memref_slice %arg6[%dma_wait3A_1007, %dma_wait3A_1009, %dma_wait3A_1010] : memref<5x128x128xf32, #tpu.memory_space<vmem>> -> memref<1x128x128xf32, #tpu.memory_space<vmem>>
      %dma_wait3A_1012 = tpu.memref_squeeze %dma_wait3A_1011 : memref<1x128x128xf32, #tpu.memory_space<vmem>> -> memref<128x128xf32, #tpu.memory_space<vmem>>
      %dma_wait3A_1013 = arith.constant 0 : i32
      %dma_wait3A_1014 = tpu.memref_slice %arg4[%sub3A_1006, %mul3A_2, %dma_wait3A_1013] : memref<50x4096x128xf32, #tpu.memory_space<hbm>> -> memref<1x128x128xf32, #tpu.memory_space<hbm>>
      %dma_wait3A_1015 = tpu.memref_squeeze %dma_wait3A_1014 : memref<1x128x128xf32, #tpu.memory_space<hbm>> -> memref<128x128xf32, #tpu.memory_space<hbm>>
      %dma_wait3A_1016 = tpu.memref_slice %arg8[%dma_wait3A_1008] : memref<5x!tpu.dma_semaphore, #tpu.memory_space<semaphore_mem>> -> memref<1x!tpu.dma_semaphore, #tpu.memory_space<semaphore_mem>>
      %dma_wait3A_1017 = tpu.memref_squeeze %dma_wait3A_1016 : memref<1x!tpu.dma_semaphore, #tpu.memory_space<semaphore_mem>> -> memref<!tpu.dma_semaphore, #tpu.memory_space<semaphore_mem>>
      %dma_wait3A_1018 = arith.constant 0 : i32
      %dma_wait3A_1019 = tpu.memref_slice %arg4[%sub3A_1006, %mul3A_2, %dma_wait3A_1018] : memref<50x4096x128xf32, #tpu.memory_space<hbm>> -> memref<1x128x128xf32, #tpu.memory_space<hbm>>
      %dma_wait3A_1020 = tpu.memref_squeeze %dma_wait3A_1019 : memref<1x128x128xf32, #tpu.memory_space<hbm>> -> memref<128x128xf32, #tpu.memory_space<hbm>>
      %dma_wait3A_1021 = arith.constant 0 : i32
      %dma_wait3A_1022 = arith.constant 0 : i32
      %dma_wait3A_1023 = tpu.memref_slice %arg6[%dma_wait3A_1007, %dma_wait3A_1021, %dma_wait3A_1022] : memref<5x128x128xf32, #tpu.memory_space<vmem>> -> memref<1x128x128xf32, #tpu.memory_space<vmem>>
      %dma_wait3A_1024 = tpu.memref_squeeze %dma_wait3A_1023 : memref<1x128x128xf32, #tpu.memory_space<vmem>> -> memref<128x128xf32, #tpu.memory_space<vmem>>
      tpu.wait_dma2 semaphore(%dma_wait3A_1017 : memref<!tpu.dma_semaphore, #tpu.memory_space<semaphore_mem>>) src(%dma_wait3A_1024 : memref<128x128xf32, #tpu.memory_space<vmem>>) dst(%dma_wait3A_1020 : memref<128x128xf32, #tpu.memory_space<hbm>>)
      %dma_start3A_1025 = arith.constant 3 : i32
      %dma_start3A_1026 = arith.constant 3 : i32
      %dma_start3A_1027 = arith.constant 0 : i32
      %dma_start3A_1028 = arith.constant 0 : i32
      %dma_start3A_1029 = tpu.memref_slice %arg6[%dma_start3A_1025, %dma_start3A_1027, %dma_start3A_1028] : memref<5x128x128xf32, #tpu.memory_space<vmem>> -> memref<1x128x128xf32, #tpu.memory_space<vmem>>
      %dma_start3A_1030 = tpu.memref_squeeze %dma_start3A_1029 : memref<1x128x128xf32, #tpu.memory_space<vmem>> -> memref<128x128xf32, #tpu.memory_space<vmem>>
      %dma_start3A_1031 = arith.constant 0 : i32
      %dma_start3A_1032 = tpu.memref_slice %arg5[%add3A_1004, %dma_start3A_1031] : memref<50x128xi32, #tpu.memory_space<vmem>> -> memref<1x128xi32, #tpu.memory_space<vmem>>
      %dma_start3A_1033 = tpu.memref_squeeze %dma_start3A_1032 : memref<1x128xi32, #tpu.memory_space<vmem>> -> memref<128xi32, #tpu.memory_space<vmem>>
      %dma_start3A_1034 = arith.constant 0 : i32
      %dma_start3A_1035 = arith.constant 0 : i32
      %dma_start3A_1036 = tpu.memref_slice %arg3[%dma_start3A_1034, %dma_start3A_1035] : memref<100000x128xf32, #tpu.memory_space<hbm>> -> memref<100000x128xf32, #tpu.memory_space<hbm>>
      %dma_start3A_1037 = tpu.memref_slice %arg7[%dma_start3A_1026] : memref<5x!tpu.dma_semaphore, #tpu.memory_space<semaphore_mem>> -> memref<1x!tpu.dma_semaphore, #tpu.memory_space<semaphore_mem>>
      %dma_start3A_1038 = tpu.memref_squeeze %dma_start3A_1037 : memref<1x!tpu.dma_semaphore, #tpu.memory_space<semaphore_mem>> -> memref<!tpu.dma_semaphore, #tpu.memory_space<semaphore_mem>>
      tpu.enqueue_indirect_dma source(%dma_start3A_1036 : memref<100000x128xf32, #tpu.memory_space<hbm>>) target(%dma_start3A_1030 : memref<128x128xf32, #tpu.memory_space<vmem>>) offsets(%dma_start3A_1033 : memref<128xi32, #tpu.memory_space<vmem>>) semaphore(%dma_start3A_1038 : memref<!tpu.dma_semaphore, #tpu.memory_space<semaphore_mem>>)
    }
    %scan3A_385 = arith.constant 8 : i32
    %dma_wait3A_386 = arith.constant 45 : i32
    %dma_wait3A_387 = arith.constant 0 : i32
    %dma_wait3A_388 = arith.constant 0 : i32
    %dma_wait3A_389 = arith.constant 0 : i32
    %dma_wait3A_390 = arith.constant 0 : i32
    %dma_wait3A_391 = tpu.memref_slice %arg6[%dma_wait3A_387, %dma_wait3A_389, %dma_wait3A_390] : memref<5x128x128xf32, #tpu.memory_space<vmem>> -> memref<1x128x128xf32, #tpu.memory_space<vmem>>
    %dma_wait3A_392 = tpu.memref_squeeze %dma_wait3A_391 : memref<1x128x128xf32, #tpu.memory_space<vmem>> -> memref<128x128xf32, #tpu.memory_space<vmem>>
    %dma_wait3A_393 = arith.constant 0 : i32
    %dma_wait3A_394 = tpu.memref_slice %arg5[%dma_wait3A_386, %dma_wait3A_393] : memref<50x128xi32, #tpu.memory_space<vmem>> -> memref<1x128xi32, #tpu.memory_space<vmem>>
    %dma_wait3A_395 = tpu.memref_squeeze %dma_wait3A_394 : memref<1x128xi32, #tpu.memory_space<vmem>> -> memref<128xi32, #tpu.memory_space<vmem>>
    %dma_wait3A_396 = arith.constant 0 : i32
    %dma_wait3A_397 = arith.constant 0 : i32
    %dma_wait3A_398 = tpu.memref_slice %arg3[%dma_wait3A_396, %dma_wait3A_397] : memref<100000x128xf32, #tpu.memory_space<hbm>> -> memref<100000x128xf32, #tpu.memory_space<hbm>>
    %dma_wait3A_399 = tpu.memref_slice %arg7[%dma_wait3A_388] : memref<5x!tpu.dma_semaphore, #tpu.memory_space<semaphore_mem>> -> memref<1x!tpu.dma_semaphore, #tpu.memory_space<semaphore_mem>>
    %dma_wait3A_400 = tpu.memref_squeeze %dma_wait3A_399 : memref<1x!tpu.dma_semaphore, #tpu.memory_space<semaphore_mem>> -> memref<!tpu.dma_semaphore, #tpu.memory_space<semaphore_mem>>
    tpu.wait_indirect_dma semaphore(%dma_wait3A_400 : memref<!tpu.dma_semaphore, #tpu.memory_space<semaphore_mem>>) src(%dma_wait3A_398 : memref<100000x128xf32, #tpu.memory_space<hbm>>) dst(%dma_wait3A_392 : memref<128x128xf32, #tpu.memory_space<vmem>>)
    %dma_start3A_401 = arith.constant 0 : i32
    %dma_start3A_402 = arith.constant 45 : i32
    %dma_start3A_403 = arith.constant 0 : i32
    %dma_start3A_404 = arith.constant 0 : i32
    %dma_start3A_405 = arith.constant 0 : i32
    %dma_start3A_406 = tpu.memref_slice %arg6[%dma_start3A_401, %dma_start3A_404, %dma_start3A_405] : memref<5x128x128xf32, #tpu.memory_space<vmem>> -> memref<1x128x128xf32, #tpu.memory_space<vmem>>
    %dma_start3A_407 = tpu.memref_squeeze %dma_start3A_406 : memref<1x128x128xf32, #tpu.memory_space<vmem>> -> memref<128x128xf32, #tpu.memory_space<vmem>>
    %dma_start3A_408 = arith.constant 0 : i32
    %dma_start3A_409 = tpu.memref_slice %arg4[%dma_start3A_402, %mul3A_2, %dma_start3A_408] : memref<50x4096x128xf32, #tpu.memory_space<hbm>> -> memref<1x128x128xf32, #tpu.memory_space<hbm>>
    %dma_start3A_410 = tpu.memref_squeeze %dma_start3A_409 : memref<1x128x128xf32, #tpu.memory_space<hbm>> -> memref<128x128xf32, #tpu.memory_space<hbm>>
    %dma_start3A_411 = tpu.memref_slice %arg8[%dma_start3A_403] : memref<5x!tpu.dma_semaphore, #tpu.memory_space<semaphore_mem>> -> memref<1x!tpu.dma_semaphore, #tpu.memory_space<semaphore_mem>>
    %dma_start3A_412 = tpu.memref_squeeze %dma_start3A_411 : memref<1x!tpu.dma_semaphore, #tpu.memory_space<semaphore_mem>> -> memref<!tpu.dma_semaphore, #tpu.memory_space<semaphore_mem>>
    %dma_start3A_413 = arith.constant 0 : i32
    %dma_start3A_414 = tpu.memref_slice %arg4[%dma_start3A_402, %mul3A_2, %dma_start3A_413] : memref<50x4096x128xf32, #tpu.memory_space<hbm>> -> memref<1x128x128xf32, #tpu.memory_space<hbm>>
    %dma_start3A_415 = tpu.memref_squeeze %dma_start3A_414 : memref<1x128x128xf32, #tpu.memory_space<hbm>> -> memref<128x128xf32, #tpu.memory_space<hbm>>
    %dma_start3A_416 = arith.constant 0 : i32
    %dma_start3A_417 = arith.constant 0 : i32
    %dma_start3A_418 = tpu.memref_slice %arg6[%dma_start3A_401, %dma_start3A_416, %dma_start3A_417] : memref<5x128x128xf32, #tpu.memory_space<vmem>> -> memref<1x128x128xf32, #tpu.memory_space<vmem>>
    %dma_start3A_419 = tpu.memref_squeeze %dma_start3A_418 : memref<1x128x128xf32, #tpu.memory_space<vmem>> -> memref<128x128xf32, #tpu.memory_space<vmem>>
    tpu.enqueue_dma source(%dma_start3A_419 : memref<128x128xf32, #tpu.memory_space<vmem>>) target(%dma_start3A_415 : memref<128x128xf32, #tpu.memory_space<hbm>>) target_semaphore(%dma_start3A_412 : memref<!tpu.dma_semaphore, #tpu.memory_space<semaphore_mem>>)
    %dma_wait3A_420 = arith.constant 4 : i32
    %dma_wait3A_421 = arith.constant 44 : i32
    %dma_wait3A_422 = arith.constant 4 : i32
    %dma_wait3A_423 = arith.constant 0 : i32
    %dma_wait3A_424 = arith.constant 0 : i32
    %dma_wait3A_425 = tpu.memref_slice %arg6[%dma_wait3A_420, %dma_wait3A_423, %dma_wait3A_424] : memref<5x128x128xf32, #tpu.memory_space<vmem>> -> memref<1x128x128xf32, #tpu.memory_space<vmem>>
    %dma_wait3A_426 = tpu.memref_squeeze %dma_wait3A_425 : memref<1x128x128xf32, #tpu.memory_space<vmem>> -> memref<128x128xf32, #tpu.memory_space<vmem>>
    %dma_wait3A_427 = arith.constant 0 : i32
    %dma_wait3A_428 = tpu.memref_slice %arg4[%dma_wait3A_421, %mul3A_2, %dma_wait3A_427] : memref<50x4096x128xf32, #tpu.memory_space<hbm>> -> memref<1x128x128xf32, #tpu.memory_space<hbm>>
    %dma_wait3A_429 = tpu.memref_squeeze %dma_wait3A_428 : memref<1x128x128xf32, #tpu.memory_space<hbm>> -> memref<128x128xf32, #tpu.memory_space<hbm>>
    %dma_wait3A_430 = tpu.memref_slice %arg8[%dma_wait3A_422] : memref<5x!tpu.dma_semaphore, #tpu.memory_space<semaphore_mem>> -> memref<1x!tpu.dma_semaphore, #tpu.memory_space<semaphore_mem>>
    %dma_wait3A_431 = tpu.memref_squeeze %dma_wait3A_430 : memref<1x!tpu.dma_semaphore, #tpu.memory_space<semaphore_mem>> -> memref<!tpu.dma_semaphore, #tpu.memory_space<semaphore_mem>>
    %dma_wait3A_432 = arith.constant 0 : i32
    %dma_wait3A_433 = tpu.memref_slice %arg4[%dma_wait3A_421, %mul3A_2, %dma_wait3A_432] : memref<50x4096x128xf32, #tpu.memory_space<hbm>> -> memref<1x128x128xf32, #tpu.memory_space<hbm>>
    %dma_wait3A_434 = tpu.memref_squeeze %dma_wait3A_433 : memref<1x128x128xf32, #tpu.memory_space<hbm>> -> memref<128x128xf32, #tpu.memory_space<hbm>>
    %dma_wait3A_435 = arith.constant 0 : i32
    %dma_wait3A_436 = arith.constant 0 : i32
    %dma_wait3A_437 = tpu.memref_slice %arg6[%dma_wait3A_420, %dma_wait3A_435, %dma_wait3A_436] : memref<5x128x128xf32, #tpu.memory_space<vmem>> -> memref<1x128x128xf32, #tpu.memory_space<vmem>>
    %dma_wait3A_438 = tpu.memref_squeeze %dma_wait3A_437 : memref<1x128x128xf32, #tpu.memory_space<vmem>> -> memref<128x128xf32, #tpu.memory_space<vmem>>
    tpu.wait_dma2 semaphore(%dma_wait3A_431 : memref<!tpu.dma_semaphore, #tpu.memory_space<semaphore_mem>>) src(%dma_wait3A_438 : memref<128x128xf32, #tpu.memory_space<vmem>>) dst(%dma_wait3A_434 : memref<128x128xf32, #tpu.memory_space<hbm>>)
    %dma_start3A_439 = arith.constant 49 : i32
    %dma_start3A_440 = arith.constant 4 : i32
    %dma_start3A_441 = arith.constant 4 : i32
    %dma_start3A_442 = arith.constant 0 : i32
    %dma_start3A_443 = arith.constant 0 : i32
    %dma_start3A_444 = tpu.memref_slice %arg6[%dma_start3A_440, %dma_start3A_442, %dma_start3A_443] : memref<5x128x128xf32, #tpu.memory_space<vmem>> -> memref<1x128x128xf32, #tpu.memory_space<vmem>>
    %dma_start3A_445 = tpu.memref_squeeze %dma_start3A_444 : memref<1x128x128xf32, #tpu.memory_space<vmem>> -> memref<128x128xf32, #tpu.memory_space<vmem>>
    %dma_start3A_446 = arith.constant 0 : i32
    %dma_start3A_447 = tpu.memref_slice %arg5[%dma_start3A_439, %dma_start3A_446] : memref<50x128xi32, #tpu.memory_space<vmem>> -> memref<1x128xi32, #tpu.memory_space<vmem>>
    %dma_start3A_448 = tpu.memref_squeeze %dma_start3A_447 : memref<1x128xi32, #tpu.memory_space<vmem>> -> memref<128xi32, #tpu.memory_space<vmem>>
    %dma_start3A_449 = arith.constant 0 : i32
    %dma_start3A_450 = arith.constant 0 : i32
    %dma_start3A_451 = tpu.memref_slice %arg3[%dma_start3A_449, %dma_start3A_450] : memref<100000x128xf32, #tpu.memory_space<hbm>> -> memref<100000x128xf32, #tpu.memory_space<hbm>>
    %dma_start3A_452 = tpu.memref_slice %arg7[%dma_start3A_441] : memref<5x!tpu.dma_semaphore, #tpu.memory_space<semaphore_mem>> -> memref<1x!tpu.dma_semaphore, #tpu.memory_space<semaphore_mem>>
    %dma_start3A_453 = tpu.memref_squeeze %dma_start3A_452 : memref<1x!tpu.dma_semaphore, #tpu.memory_space<semaphore_mem>> -> memref<!tpu.dma_semaphore, #tpu.memory_space<semaphore_mem>>
    tpu.enqueue_indirect_dma source(%dma_start3A_451 : memref<100000x128xf32, #tpu.memory_space<hbm>>) target(%dma_start3A_445 : memref<128x128xf32, #tpu.memory_space<vmem>>) offsets(%dma_start3A_448 : memref<128xi32, #tpu.memory_space<vmem>>) semaphore(%dma_start3A_453 : memref<!tpu.dma_semaphore, #tpu.memory_space<semaphore_mem>>)
    %dma_wait3A_454 = arith.constant 46 : i32
    %dma_wait3A_455 = arith.constant 1 : i32
    %dma_wait3A_456 = arith.constant 1 : i32
    %dma_wait3A_457 = arith.constant 0 : i32
    %dma_wait3A_458 = arith.constant 0 : i32
    %dma_wait3A_459 = tpu.memref_slice %arg6[%dma_wait3A_455, %dma_wait3A_457, %dma_wait3A_458] : memref<5x128x128xf32, #tpu.memory_space<vmem>> -> memref<1x128x128xf32, #tpu.memory_space<vmem>>
    %dma_wait3A_460 = tpu.memref_squeeze %dma_wait3A_459 : memref<1x128x128xf32, #tpu.memory_space<vmem>> -> memref<128x128xf32, #tpu.memory_space<vmem>>
    %dma_wait3A_461 = arith.constant 0 : i32
    %dma_wait3A_462 = tpu.memref_slice %arg5[%dma_wait3A_454, %dma_wait3A_461] : memref<50x128xi32, #tpu.memory_space<vmem>> -> memref<1x128xi32, #tpu.memory_space<vmem>>
    %dma_wait3A_463 = tpu.memref_squeeze %dma_wait3A_462 : memref<1x128xi32, #tpu.memory_space<vmem>> -> memref<128xi32, #tpu.memory_space<vmem>>
    %dma_wait3A_464 = arith.constant 0 : i32
    %dma_wait3A_465 = arith.constant 0 : i32
    %dma_wait3A_466 = tpu.memref_slice %arg3[%dma_wait3A_464, %dma_wait3A_465] : memref<100000x128xf32, #tpu.memory_space<hbm>> -> memref<100000x128xf32, #tpu.memory_space<hbm>>
    %dma_wait3A_467 = tpu.memref_slice %arg7[%dma_wait3A_456] : memref<5x!tpu.dma_semaphore, #tpu.memory_space<semaphore_mem>> -> memref<1x!tpu.dma_semaphore, #tpu.memory_space<semaphore_mem>>
    %dma_wait3A_468 = tpu.memref_squeeze %dma_wait3A_467 : memref<1x!tpu.dma_semaphore, #tpu.memory_space<semaphore_mem>> -> memref<!tpu.dma_semaphore, #tpu.memory_space<semaphore_mem>>
    tpu.wait_indirect_dma semaphore(%dma_wait3A_468 : memref<!tpu.dma_semaphore, #tpu.memory_space<semaphore_mem>>) src(%dma_wait3A_466 : memref<100000x128xf32, #tpu.memory_space<hbm>>) dst(%dma_wait3A_460 : memref<128x128xf32, #tpu.memory_space<vmem>>)
    %dma_start3A_469 = arith.constant 1 : i32
    %dma_start3A_470 = arith.constant 46 : i32
    %dma_start3A_471 = arith.constant 1 : i32
    %dma_start3A_472 = arith.constant 0 : i32
    %dma_start3A_473 = arith.constant 0 : i32
    %dma_start3A_474 = tpu.memref_slice %arg6[%dma_start3A_469, %dma_start3A_472, %dma_start3A_473] : memref<5x128x128xf32, #tpu.memory_space<vmem>> -> memref<1x128x128xf32, #tpu.memory_space<vmem>>
    %dma_start3A_475 = tpu.memref_squeeze %dma_start3A_474 : memref<1x128x128xf32, #tpu.memory_space<vmem>> -> memref<128x128xf32, #tpu.memory_space<vmem>>
    %dma_start3A_476 = arith.constant 0 : i32
    %dma_start3A_477 = tpu.memref_slice %arg4[%dma_start3A_470, %mul3A_2, %dma_start3A_476] : memref<50x4096x128xf32, #tpu.memory_space<hbm>> -> memref<1x128x128xf32, #tpu.memory_space<hbm>>
    %dma_start3A_478 = tpu.memref_squeeze %dma_start3A_477 : memref<1x128x128xf32, #tpu.memory_space<hbm>> -> memref<128x128xf32, #tpu.memory_space<hbm>>
    %dma_start3A_479 = tpu.memref_slice %arg8[%dma_start3A_471] : memref<5x!tpu.dma_semaphore, #tpu.memory_space<semaphore_mem>> -> memref<1x!tpu.dma_semaphore, #tpu.memory_space<semaphore_mem>>
    %dma_start3A_480 = tpu.memref_squeeze %dma_start3A_479 : memref<1x!tpu.dma_semaphore, #tpu.memory_space<semaphore_mem>> -> memref<!tpu.dma_semaphore, #tpu.memory_space<semaphore_mem>>
    %dma_start3A_481 = arith.constant 0 : i32
    %dma_start3A_482 = tpu.memref_slice %arg4[%dma_start3A_470, %mul3A_2, %dma_start3A_481] : memref<50x4096x128xf32, #tpu.memory_space<hbm>> -> memref<1x128x128xf32, #tpu.memory_space<hbm>>
    %dma_start3A_483 = tpu.memref_squeeze %dma_start3A_482 : memref<1x128x128xf32, #tpu.memory_space<hbm>> -> memref<128x128xf32, #tpu.memory_space<hbm>>
    %dma_start3A_484 = arith.constant 0 : i32
    %dma_start3A_485 = arith.constant 0 : i32
    %dma_start3A_486 = tpu.memref_slice %arg6[%dma_start3A_469, %dma_start3A_484, %dma_start3A_485] : memref<5x128x128xf32, #tpu.memory_space<vmem>> -> memref<1x128x128xf32, #tpu.memory_space<vmem>>
    %dma_start3A_487 = tpu.memref_squeeze %dma_start3A_486 : memref<1x128x128xf32, #tpu.memory_space<vmem>> -> memref<128x128xf32, #tpu.memory_space<vmem>>
    tpu.enqueue_dma source(%dma_start3A_487 : memref<128x128xf32, #tpu.memory_space<vmem>>) target(%dma_start3A_483 : memref<128x128xf32, #tpu.memory_space<hbm>>) target_semaphore(%dma_start3A_480 : memref<!tpu.dma_semaphore, #tpu.memory_space<semaphore_mem>>)
    %dma_wait3A_488 = arith.constant 47 : i32
    %dma_wait3A_489 = arith.constant 2 : i32
    %dma_wait3A_490 = arith.constant 2 : i32
    %dma_wait3A_491 = arith.constant 0 : i32
    %dma_wait3A_492 = arith.constant 0 : i32
    %dma_wait3A_493 = tpu.memref_slice %arg6[%dma_wait3A_489, %dma_wait3A_491, %dma_wait3A_492] : memref<5x128x128xf32, #tpu.memory_space<vmem>> -> memref<1x128x128xf32, #tpu.memory_space<vmem>>
    %dma_wait3A_494 = tpu.memref_squeeze %dma_wait3A_493 : memref<1x128x128xf32, #tpu.memory_space<vmem>> -> memref<128x128xf32, #tpu.memory_space<vmem>>
    %dma_wait3A_495 = arith.constant 0 : i32
    %dma_wait3A_496 = tpu.memref_slice %arg5[%dma_wait3A_488, %dma_wait3A_495] : memref<50x128xi32, #tpu.memory_space<vmem>> -> memref<1x128xi32, #tpu.memory_space<vmem>>
    %dma_wait3A_497 = tpu.memref_squeeze %dma_wait3A_496 : memref<1x128xi32, #tpu.memory_space<vmem>> -> memref<128xi32, #tpu.memory_space<vmem>>
    %dma_wait3A_498 = arith.constant 0 : i32
    %dma_wait3A_499 = arith.constant 0 : i32
    %dma_wait3A_500 = tpu.memref_slice %arg3[%dma_wait3A_498, %dma_wait3A_499] : memref<100000x128xf32, #tpu.memory_space<hbm>> -> memref<100000x128xf32, #tpu.memory_space<hbm>>
    %dma_wait3A_501 = tpu.memref_slice %arg7[%dma_wait3A_490] : memref<5x!tpu.dma_semaphore, #tpu.memory_space<semaphore_mem>> -> memref<1x!tpu.dma_semaphore, #tpu.memory_space<semaphore_mem>>
    %dma_wait3A_502 = tpu.memref_squeeze %dma_wait3A_501 : memref<1x!tpu.dma_semaphore, #tpu.memory_space<semaphore_mem>> -> memref<!tpu.dma_semaphore, #tpu.memory_space<semaphore_mem>>
    tpu.wait_indirect_dma semaphore(%dma_wait3A_502 : memref<!tpu.dma_semaphore, #tpu.memory_space<semaphore_mem>>) src(%dma_wait3A_500 : memref<100000x128xf32, #tpu.memory_space<hbm>>) dst(%dma_wait3A_494 : memref<128x128xf32, #tpu.memory_space<vmem>>)
    %dma_start3A_503 = arith.constant 2 : i32
    %dma_start3A_504 = arith.constant 47 : i32
    %dma_start3A_505 = arith.constant 2 : i32
    %dma_start3A_506 = arith.constant 0 : i32
    %dma_start3A_507 = arith.constant 0 : i32
    %dma_start3A_508 = tpu.memref_slice %arg6[%dma_start3A_503, %dma_start3A_506, %dma_start3A_507] : memref<5x128x128xf32, #tpu.memory_space<vmem>> -> memref<1x128x128xf32, #tpu.memory_space<vmem>>
    %dma_start3A_509 = tpu.memref_squeeze %dma_start3A_508 : memref<1x128x128xf32, #tpu.memory_space<vmem>> -> memref<128x128xf32, #tpu.memory_space<vmem>>
    %dma_start3A_510 = arith.constant 0 : i32
    %dma_start3A_511 = tpu.memref_slice %arg4[%dma_start3A_504, %mul3A_2, %dma_start3A_510] : memref<50x4096x128xf32, #tpu.memory_space<hbm>> -> memref<1x128x128xf32, #tpu.memory_space<hbm>>
    %dma_start3A_512 = tpu.memref_squeeze %dma_start3A_511 : memref<1x128x128xf32, #tpu.memory_space<hbm>> -> memref<128x128xf32, #tpu.memory_space<hbm>>
    %dma_start3A_513 = tpu.memref_slice %arg8[%dma_start3A_505] : memref<5x!tpu.dma_semaphore, #tpu.memory_space<semaphore_mem>> -> memref<1x!tpu.dma_semaphore, #tpu.memory_space<semaphore_mem>>
    %dma_start3A_514 = tpu.memref_squeeze %dma_start3A_513 : memref<1x!tpu.dma_semaphore, #tpu.memory_space<semaphore_mem>> -> memref<!tpu.dma_semaphore, #tpu.memory_space<semaphore_mem>>
    %dma_start3A_515 = arith.constant 0 : i32
    %dma_start3A_516 = tpu.memref_slice %arg4[%dma_start3A_504, %mul3A_2, %dma_start3A_515] : memref<50x4096x128xf32, #tpu.memory_space<hbm>> -> memref<1x128x128xf32, #tpu.memory_space<hbm>>
    %dma_start3A_517 = tpu.memref_squeeze %dma_start3A_516 : memref<1x128x128xf32, #tpu.memory_space<hbm>> -> memref<128x128xf32, #tpu.memory_space<hbm>>
    %dma_start3A_518 = arith.constant 0 : i32
    %dma_start3A_519 = arith.constant 0 : i32
    %dma_start3A_520 = tpu.memref_slice %arg6[%dma_start3A_503, %dma_start3A_518, %dma_start3A_519] : memref<5x128x128xf32, #tpu.memory_space<vmem>> -> memref<1x128x128xf32, #tpu.memory_space<vmem>>
    %dma_start3A_521 = tpu.memref_squeeze %dma_start3A_520 : memref<1x128x128xf32, #tpu.memory_space<vmem>> -> memref<128x128xf32, #tpu.memory_space<vmem>>
    tpu.enqueue_dma source(%dma_start3A_521 : memref<128x128xf32, #tpu.memory_space<vmem>>) target(%dma_start3A_517 : memref<128x128xf32, #tpu.memory_space<hbm>>) target_semaphore(%dma_start3A_514 : memref<!tpu.dma_semaphore, #tpu.memory_space<semaphore_mem>>)
    %dma_wait3A_522 = arith.constant 48 : i32
    %dma_wait3A_523 = arith.constant 3 : i32
    %dma_wait3A_524 = arith.constant 3 : i32
    %dma_wait3A_525 = arith.constant 0 : i32
    %dma_wait3A_526 = arith.constant 0 : i32
    %dma_wait3A_527 = tpu.memref_slice %arg6[%dma_wait3A_523, %dma_wait3A_525, %dma_wait3A_526] : memref<5x128x128xf32, #tpu.memory_space<vmem>> -> memref<1x128x128xf32, #tpu.memory_space<vmem>>
    %dma_wait3A_528 = tpu.memref_squeeze %dma_wait3A_527 : memref<1x128x128xf32, #tpu.memory_space<vmem>> -> memref<128x128xf32, #tpu.memory_space<vmem>>
    %dma_wait3A_529 = arith.constant 0 : i32
    %dma_wait3A_530 = tpu.memref_slice %arg5[%dma_wait3A_522, %dma_wait3A_529] : memref<50x128xi32, #tpu.memory_space<vmem>> -> memref<1x128xi32, #tpu.memory_space<vmem>>
    %dma_wait3A_531 = tpu.memref_squeeze %dma_wait3A_530 : memref<1x128xi32, #tpu.memory_space<vmem>> -> memref<128xi32, #tpu.memory_space<vmem>>
    %dma_wait3A_532 = arith.constant 0 : i32
    %dma_wait3A_533 = arith.constant 0 : i32
    %dma_wait3A_534 = tpu.memref_slice %arg3[%dma_wait3A_532, %dma_wait3A_533] : memref<100000x128xf32, #tpu.memory_space<hbm>> -> memref<100000x128xf32, #tpu.memory_space<hbm>>
    %dma_wait3A_535 = tpu.memref_slice %arg7[%dma_wait3A_524] : memref<5x!tpu.dma_semaphore, #tpu.memory_space<semaphore_mem>> -> memref<1x!tpu.dma_semaphore, #tpu.memory_space<semaphore_mem>>
    %dma_wait3A_536 = tpu.memref_squeeze %dma_wait3A_535 : memref<1x!tpu.dma_semaphore, #tpu.memory_space<semaphore_mem>> -> memref<!tpu.dma_semaphore, #tpu.memory_space<semaphore_mem>>
    tpu.wait_indirect_dma semaphore(%dma_wait3A_536 : memref<!tpu.dma_semaphore, #tpu.memory_space<semaphore_mem>>) src(%dma_wait3A_534 : memref<100000x128xf32, #tpu.memory_space<hbm>>) dst(%dma_wait3A_528 : memref<128x128xf32, #tpu.memory_space<vmem>>)
    %dma_start3A_537 = arith.constant 3 : i32
    %dma_start3A_538 = arith.constant 48 : i32
    %dma_start3A_539 = arith.constant 3 : i32
    %dma_start3A_540 = arith.constant 0 : i32
    %dma_start3A_541 = arith.constant 0 : i32
    %dma_start3A_542 = tpu.memref_slice %arg6[%dma_start3A_537, %dma_start3A_540, %dma_start3A_541] : memref<5x128x128xf32, #tpu.memory_space<vmem>> -> memref<1x128x128xf32, #tpu.memory_space<vmem>>
    %dma_start3A_543 = tpu.memref_squeeze %dma_start3A_542 : memref<1x128x128xf32, #tpu.memory_space<vmem>> -> memref<128x128xf32, #tpu.memory_space<vmem>>
    %dma_start3A_544 = arith.constant 0 : i32
    %dma_start3A_545 = tpu.memref_slice %arg4[%dma_start3A_538, %mul3A_2, %dma_start3A_544] : memref<50x4096x128xf32, #tpu.memory_space<hbm>> -> memref<1x128x128xf32, #tpu.memory_space<hbm>>
    %dma_start3A_546 = tpu.memref_squeeze %dma_start3A_545 : memref<1x128x128xf32, #tpu.memory_space<hbm>> -> memref<128x128xf32, #tpu.memory_space<hbm>>
    %dma_start3A_547 = tpu.memref_slice %arg8[%dma_start3A_539] : memref<5x!tpu.dma_semaphore, #tpu.memory_space<semaphore_mem>> -> memref<1x!tpu.dma_semaphore, #tpu.memory_space<semaphore_mem>>
    %dma_start3A_548 = tpu.memref_squeeze %dma_start3A_547 : memref<1x!tpu.dma_semaphore, #tpu.memory_space<semaphore_mem>> -> memref<!tpu.dma_semaphore, #tpu.memory_space<semaphore_mem>>
    %dma_start3A_549 = arith.constant 0 : i32
    %dma_start3A_550 = tpu.memref_slice %arg4[%dma_start3A_538, %mul3A_2, %dma_start3A_549] : memref<50x4096x128xf32, #tpu.memory_space<hbm>> -> memref<1x128x128xf32, #tpu.memory_space<hbm>>
    %dma_start3A_551 = tpu.memref_squeeze %dma_start3A_550 : memref<1x128x128xf32, #tpu.memory_space<hbm>> -> memref<128x128xf32, #tpu.memory_space<hbm>>
    %dma_start3A_552 = arith.constant 0 : i32
    %dma_start3A_553 = arith.constant 0 : i32
    %dma_start3A_554 = tpu.memref_slice %arg6[%dma_start3A_537, %dma_start3A_552, %dma_start3A_553] : memref<5x128x128xf32, #tpu.memory_space<vmem>> -> memref<1x128x128xf32, #tpu.memory_space<vmem>>
    %dma_start3A_555 = tpu.memref_squeeze %dma_start3A_554 : memref<1x128x128xf32, #tpu.memory_space<vmem>> -> memref<128x128xf32, #tpu.memory_space<vmem>>
    tpu.enqueue_dma source(%dma_start3A_555 : memref<128x128xf32, #tpu.memory_space<vmem>>) target(%dma_start3A_551 : memref<128x128xf32, #tpu.memory_space<hbm>>) target_semaphore(%dma_start3A_548 : memref<!tpu.dma_semaphore, #tpu.memory_space<semaphore_mem>>)
    %dma_wait3A_556 = arith.constant 49 : i32
    %dma_wait3A_557 = arith.constant 4 : i32
    %dma_wait3A_558 = arith.constant 4 : i32
    %dma_wait3A_559 = arith.constant 0 : i32
    %dma_wait3A_560 = arith.constant 0 : i32
    %dma_wait3A_561 = tpu.memref_slice %arg6[%dma_wait3A_557, %dma_wait3A_559, %dma_wait3A_560] : memref<5x128x128xf32, #tpu.memory_space<vmem>> -> memref<1x128x128xf32, #tpu.memory_space<vmem>>
    %dma_wait3A_562 = tpu.memref_squeeze %dma_wait3A_561 : memref<1x128x128xf32, #tpu.memory_space<vmem>> -> memref<128x128xf32, #tpu.memory_space<vmem>>
    %dma_wait3A_563 = arith.constant 0 : i32
    %dma_wait3A_564 = tpu.memref_slice %arg5[%dma_wait3A_556, %dma_wait3A_563] : memref<50x128xi32, #tpu.memory_space<vmem>> -> memref<1x128xi32, #tpu.memory_space<vmem>>
    %dma_wait3A_565 = tpu.memref_squeeze %dma_wait3A_564 : memref<1x128xi32, #tpu.memory_space<vmem>> -> memref<128xi32, #tpu.memory_space<vmem>>
    %dma_wait3A_566 = arith.constant 0 : i32
    %dma_wait3A_567 = arith.constant 0 : i32
    %dma_wait3A_568 = tpu.memref_slice %arg3[%dma_wait3A_566, %dma_wait3A_567] : memref<100000x128xf32, #tpu.memory_space<hbm>> -> memref<100000x128xf32, #tpu.memory_space<hbm>>
    %dma_wait3A_569 = tpu.memref_slice %arg7[%dma_wait3A_558] : memref<5x!tpu.dma_semaphore, #tpu.memory_space<semaphore_mem>> -> memref<1x!tpu.dma_semaphore, #tpu.memory_space<semaphore_mem>>
    %dma_wait3A_570 = tpu.memref_squeeze %dma_wait3A_569 : memref<1x!tpu.dma_semaphore, #tpu.memory_space<semaphore_mem>> -> memref<!tpu.dma_semaphore, #tpu.memory_space<semaphore_mem>>
    tpu.wait_indirect_dma semaphore(%dma_wait3A_570 : memref<!tpu.dma_semaphore, #tpu.memory_space<semaphore_mem>>) src(%dma_wait3A_568 : memref<100000x128xf32, #tpu.memory_space<hbm>>) dst(%dma_wait3A_562 : memref<128x128xf32, #tpu.memory_space<vmem>>)
    %dma_start3A_571 = arith.constant 4 : i32
    %dma_start3A_572 = arith.constant 49 : i32
    %dma_start3A_573 = arith.constant 4 : i32
    %dma_start3A_574 = arith.constant 0 : i32
    %dma_start3A_575 = arith.constant 0 : i32
    %dma_start3A_576 = tpu.memref_slice %arg6[%dma_start3A_571, %dma_start3A_574, %dma_start3A_575] : memref<5x128x128xf32, #tpu.memory_space<vmem>> -> memref<1x128x128xf32, #tpu.memory_space<vmem>>
    %dma_start3A_577 = tpu.memref_squeeze %dma_start3A_576 : memref<1x128x128xf32, #tpu.memory_space<vmem>> -> memref<128x128xf32, #tpu.memory_space<vmem>>
    %dma_start3A_578 = arith.constant 0 : i32
    %dma_start3A_579 = tpu.memref_slice %arg4[%dma_start3A_572, %mul3A_2, %dma_start3A_578] : memref<50x4096x128xf32, #tpu.memory_space<hbm>> -> memref<1x128x128xf32, #tpu.memory_space<hbm>>
    %dma_start3A_580 = tpu.memref_squeeze %dma_start3A_579 : memref<1x128x128xf32, #tpu.memory_space<hbm>> -> memref<128x128xf32, #tpu.memory_space<hbm>>
    %dma_start3A_581 = tpu.memref_slice %arg8[%dma_start3A_573] : memref<5x!tpu.dma_semaphore, #tpu.memory_space<semaphore_mem>> -> memref<1x!tpu.dma_semaphore, #tpu.memory_space<semaphore_mem>>
    %dma_start3A_582 = tpu.memref_squeeze %dma_start3A_581 : memref<1x!tpu.dma_semaphore, #tpu.memory_space<semaphore_mem>> -> memref<!tpu.dma_semaphore, #tpu.memory_space<semaphore_mem>>
    %dma_start3A_583 = arith.constant 0 : i32
    %dma_start3A_584 = tpu.memref_slice %arg4[%dma_start3A_572, %mul3A_2, %dma_start3A_583] : memref<50x4096x128xf32, #tpu.memory_space<hbm>> -> memref<1x128x128xf32, #tpu.memory_space<hbm>>
    %dma_start3A_585 = tpu.memref_squeeze %dma_start3A_584 : memref<1x128x128xf32, #tpu.memory_space<hbm>> -> memref<128x128xf32, #tpu.memory_space<hbm>>
    %dma_start3A_586 = arith.constant 0 : i32
    %dma_start3A_587 = arith.constant 0 : i32
    %dma_start3A_588 = tpu.memref_slice %arg6[%dma_start3A_571, %dma_start3A_586, %dma_start3A_587] : memref<5x128x128xf32, #tpu.memory_space<vmem>> -> memref<1x128x128xf32, #tpu.memory_space<vmem>>
    %dma_start3A_589 = tpu.memref_squeeze %dma_start3A_588 : memref<1x128x128xf32, #tpu.memory_space<vmem>> -> memref<128x128xf32, #tpu.memory_space<vmem>>
    tpu.enqueue_dma source(%dma_start3A_589 : memref<128x128xf32, #tpu.memory_space<vmem>>) target(%dma_start3A_585 : memref<128x128xf32, #tpu.memory_space<hbm>>) target_semaphore(%dma_start3A_582 : memref<!tpu.dma_semaphore, #tpu.memory_space<semaphore_mem>>)
    %dma_wait3A_590 = arith.constant 0 : i32
    %dma_wait3A_591 = arith.constant 45 : i32
    %dma_wait3A_592 = arith.constant 0 : i32
    %dma_wait3A_593 = arith.constant 0 : i32
    %dma_wait3A_594 = arith.constant 0 : i32
    %dma_wait3A_595 = tpu.memref_slice %arg6[%dma_wait3A_590, %dma_wait3A_593, %dma_wait3A_594] : memref<5x128x128xf32, #tpu.memory_space<vmem>> -> memref<1x128x128xf32, #tpu.memory_space<vmem>>
    %dma_wait3A_596 = tpu.memref_squeeze %dma_wait3A_595 : memref<1x128x128xf32, #tpu.memory_space<vmem>> -> memref<128x128xf32, #tpu.memory_space<vmem>>
    %dma_wait3A_597 = arith.constant 0 : i32
    %dma_wait3A_598 = tpu.memref_slice %arg4[%dma_wait3A_591, %mul3A_2, %dma_wait3A_597] : memref<50x4096x128xf32, #tpu.memory_space<hbm>> -> memref<1x128x128xf32, #tpu.memory_space<hbm>>
    %dma_wait3A_599 = tpu.memref_squeeze %dma_wait3A_598 : memref<1x128x128xf32, #tpu.memory_space<hbm>> -> memref<128x128xf32, #tpu.memory_space<hbm>>
    %dma_wait3A_600 = tpu.memref_slice %arg8[%dma_wait3A_592] : memref<5x!tpu.dma_semaphore, #tpu.memory_space<semaphore_mem>> -> memref<1x!tpu.dma_semaphore, #tpu.memory_space<semaphore_mem>>
    %dma_wait3A_601 = tpu.memref_squeeze %dma_wait3A_600 : memref<1x!tpu.dma_semaphore, #tpu.memory_space<semaphore_mem>> -> memref<!tpu.dma_semaphore, #tpu.memory_space<semaphore_mem>>
    %dma_wait3A_602 = arith.constant 0 : i32
    %dma_wait3A_603 = tpu.memref_slice %arg4[%dma_wait3A_591, %mul3A_2, %dma_wait3A_602] : memref<50x4096x128xf32, #tpu.memory_space<hbm>> -> memref<1x128x128xf32, #tpu.memory_space<hbm>>
    %dma_wait3A_604 = tpu.memref_squeeze %dma_wait3A_603 : memref<1x128x128xf32, #tpu.memory_space<hbm>> -> memref<128x128xf32, #tpu.memory_space<hbm>>
    %dma_wait3A_605 = arith.constant 0 : i32
    %dma_wait3A_606 = arith.constant 0 : i32
    %dma_wait3A_607 = tpu.memref_slice %arg6[%dma_wait3A_590, %dma_wait3A_605, %dma_wait3A_606] : memref<5x128x128xf32, #tpu.memory_space<vmem>> -> memref<1x128x128xf32, #tpu.memory_space<vmem>>
    %dma_wait3A_608 = tpu.memref_squeeze %dma_wait3A_607 : memref<1x128x128xf32, #tpu.memory_space<vmem>> -> memref<128x128xf32, #tpu.memory_space<vmem>>
    tpu.wait_dma2 semaphore(%dma_wait3A_601 : memref<!tpu.dma_semaphore, #tpu.memory_space<semaphore_mem>>) src(%dma_wait3A_608 : memref<128x128xf32, #tpu.memory_space<vmem>>) dst(%dma_wait3A_604 : memref<128x128xf32, #tpu.memory_space<hbm>>)
    %dma_wait3A_609 = arith.constant 1 : i32
    %dma_wait3A_610 = arith.constant 46 : i32
    %dma_wait3A_611 = arith.constant 1 : i32
    %dma_wait3A_612 = arith.constant 0 : i32
    %dma_wait3A_613 = arith.constant 0 : i32
    %dma_wait3A_614 = tpu.memref_slice %arg6[%dma_wait3A_609, %dma_wait3A_612, %dma_wait3A_613] : memref<5x128x128xf32, #tpu.memory_space<vmem>> -> memref<1x128x128xf32, #tpu.memory_space<vmem>>
    %dma_wait3A_615 = tpu.memref_squeeze %dma_wait3A_614 : memref<1x128x128xf32, #tpu.memory_space<vmem>> -> memref<128x128xf32, #tpu.memory_space<vmem>>
    %dma_wait3A_616 = arith.constant 0 : i32
    %dma_wait3A_617 = tpu.memref_slice %arg4[%dma_wait3A_610, %mul3A_2, %dma_wait3A_616] : memref<50x4096x128xf32, #tpu.memory_space<hbm>> -> memref<1x128x128xf32, #tpu.memory_space<hbm>>
    %dma_wait3A_618 = tpu.memref_squeeze %dma_wait3A_617 : memref<1x128x128xf32, #tpu.memory_space<hbm>> -> memref<128x128xf32, #tpu.memory_space<hbm>>
    %dma_wait3A_619 = tpu.memref_slice %arg8[%dma_wait3A_611] : memref<5x!tpu.dma_semaphore, #tpu.memory_space<semaphore_mem>> -> memref<1x!tpu.dma_semaphore, #tpu.memory_space<semaphore_mem>>
    %dma_wait3A_620 = tpu.memref_squeeze %dma_wait3A_619 : memref<1x!tpu.dma_semaphore, #tpu.memory_space<semaphore_mem>> -> memref<!tpu.dma_semaphore, #tpu.memory_space<semaphore_mem>>
    %dma_wait3A_621 = arith.constant 0 : i32
    %dma_wait3A_622 = tpu.memref_slice %arg4[%dma_wait3A_610, %mul3A_2, %dma_wait3A_621] : memref<50x4096x128xf32, #tpu.memory_space<hbm>> -> memref<1x128x128xf32, #tpu.memory_space<hbm>>
    %dma_wait3A_623 = tpu.memref_squeeze %dma_wait3A_622 : memref<1x128x128xf32, #tpu.memory_space<hbm>> -> memref<128x128xf32, #tpu.memory_space<hbm>>
    %dma_wait3A_624 = arith.constant 0 : i32
    %dma_wait3A_625 = arith.constant 0 : i32
    %dma_wait3A_626 = tpu.memref_slice %arg6[%dma_wait3A_609, %dma_wait3A_624, %dma_wait3A_625] : memref<5x128x128xf32, #tpu.memory_space<vmem>> -> memref<1x128x128xf32, #tpu.memory_space<vmem>>
    %dma_wait3A_627 = tpu.memref_squeeze %dma_wait3A_626 : memref<1x128x128xf32, #tpu.memory_space<vmem>> -> memref<128x128xf32, #tpu.memory_space<vmem>>
    tpu.wait_dma2 semaphore(%dma_wait3A_620 : memref<!tpu.dma_semaphore, #tpu.memory_space<semaphore_mem>>) src(%dma_wait3A_627 : memref<128x128xf32, #tpu.memory_space<vmem>>) dst(%dma_wait3A_623 : memref<128x128xf32, #tpu.memory_space<hbm>>)
    %dma_wait3A_628 = arith.constant 2 : i32
    %dma_wait3A_629 = arith.constant 47 : i32
    %dma_wait3A_630 = arith.constant 2 : i32
    %dma_wait3A_631 = arith.constant 0 : i32
    %dma_wait3A_632 = arith.constant 0 : i32
    %dma_wait3A_633 = tpu.memref_slice %arg6[%dma_wait3A_628, %dma_wait3A_631, %dma_wait3A_632] : memref<5x128x128xf32, #tpu.memory_space<vmem>> -> memref<1x128x128xf32, #tpu.memory_space<vmem>>
    %dma_wait3A_634 = tpu.memref_squeeze %dma_wait3A_633 : memref<1x128x128xf32, #tpu.memory_space<vmem>> -> memref<128x128xf32, #tpu.memory_space<vmem>>
    %dma_wait3A_635 = arith.constant 0 : i32
    %dma_wait3A_636 = tpu.memref_slice %arg4[%dma_wait3A_629, %mul3A_2, %dma_wait3A_635] : memref<50x4096x128xf32, #tpu.memory_space<hbm>> -> memref<1x128x128xf32, #tpu.memory_space<hbm>>
    %dma_wait3A_637 = tpu.memref_squeeze %dma_wait3A_636 : memref<1x128x128xf32, #tpu.memory_space<hbm>> -> memref<128x128xf32, #tpu.memory_space<hbm>>
    %dma_wait3A_638 = tpu.memref_slice %arg8[%dma_wait3A_630] : memref<5x!tpu.dma_semaphore, #tpu.memory_space<semaphore_mem>> -> memref<1x!tpu.dma_semaphore, #tpu.memory_space<semaphore_mem>>
    %dma_wait3A_639 = tpu.memref_squeeze %dma_wait3A_638 : memref<1x!tpu.dma_semaphore, #tpu.memory_space<semaphore_mem>> -> memref<!tpu.dma_semaphore, #tpu.memory_space<semaphore_mem>>
    %dma_wait3A_640 = arith.constant 0 : i32
    %dma_wait3A_641 = tpu.memref_slice %arg4[%dma_wait3A_629, %mul3A_2, %dma_wait3A_640] : memref<50x4096x128xf32, #tpu.memory_space<hbm>> -> memref<1x128x128xf32, #tpu.memory_space<hbm>>
    %dma_wait3A_642 = tpu.memref_squeeze %dma_wait3A_641 : memref<1x128x128xf32, #tpu.memory_space<hbm>> -> memref<128x128xf32, #tpu.memory_space<hbm>>
    %dma_wait3A_643 = arith.constant 0 : i32
    %dma_wait3A_644 = arith.constant 0 : i32
    %dma_wait3A_645 = tpu.memref_slice %arg6[%dma_wait3A_628, %dma_wait3A_643, %dma_wait3A_644] : memref<5x128x128xf32, #tpu.memory_space<vmem>> -> memref<1x128x128xf32, #tpu.memory_space<vmem>>
    %dma_wait3A_646 = tpu.memref_squeeze %dma_wait3A_645 : memref<1x128x128xf32, #tpu.memory_space<vmem>> -> memref<128x128xf32, #tpu.memory_space<vmem>>
    tpu.wait_dma2 semaphore(%dma_wait3A_639 : memref<!tpu.dma_semaphore, #tpu.memory_space<semaphore_mem>>) src(%dma_wait3A_646 : memref<128x128xf32, #tpu.memory_space<vmem>>) dst(%dma_wait3A_642 : memref<128x128xf32, #tpu.memory_space<hbm>>)
    %dma_wait3A_647 = arith.constant 3 : i32
    %dma_wait3A_648 = arith.constant 48 : i32
    %dma_wait3A_649 = arith.constant 3 : i32
    %dma_wait3A_650 = arith.constant 0 : i32
    %dma_wait3A_651 = arith.constant 0 : i32
    %dma_wait3A_652 = tpu.memref_slice %arg6[%dma_wait3A_647, %dma_wait3A_650, %dma_wait3A_651] : memref<5x128x128xf32, #tpu.memory_space<vmem>> -> memref<1x128x128xf32, #tpu.memory_space<vmem>>
    %dma_wait3A_653 = tpu.memref_squeeze %dma_wait3A_652 : memref<1x128x128xf32, #tpu.memory_space<vmem>> -> memref<128x128xf32, #tpu.memory_space<vmem>>
    %dma_wait3A_654 = arith.constant 0 : i32
    %dma_wait3A_655 = tpu.memref_slice %arg4[%dma_wait3A_648, %mul3A_2, %dma_wait3A_654] : memref<50x4096x128xf32, #tpu.memory_space<hbm>> -> memref<1x128x128xf32, #tpu.memory_space<hbm>>
    %dma_wait3A_656 = tpu.memref_squeeze %dma_wait3A_655 : memref<1x128x128xf32, #tpu.memory_space<hbm>> -> memref<128x128xf32, #tpu.memory_space<hbm>>
    %dma_wait3A_657 = tpu.memref_slice %arg8[%dma_wait3A_649] : memref<5x!tpu.dma_semaphore, #tpu.memory_space<semaphore_mem>> -> memref<1x!tpu.dma_semaphore, #tpu.memory_space<semaphore_mem>>
    %dma_wait3A_658 = tpu.memref_squeeze %dma_wait3A_657 : memref<1x!tpu.dma_semaphore, #tpu.memory_space<semaphore_mem>> -> memref<!tpu.dma_semaphore, #tpu.memory_space<semaphore_mem>>
    %dma_wait3A_659 = arith.constant 0 : i32
    %dma_wait3A_660 = tpu.memref_slice %arg4[%dma_wait3A_648, %mul3A_2, %dma_wait3A_659] : memref<50x4096x128xf32, #tpu.memory_space<hbm>> -> memref<1x128x128xf32, #tpu.memory_space<hbm>>
    %dma_wait3A_661 = tpu.memref_squeeze %dma_wait3A_660 : memref<1x128x128xf32, #tpu.memory_space<hbm>> -> memref<128x128xf32, #tpu.memory_space<hbm>>
    %dma_wait3A_662 = arith.constant 0 : i32
    %dma_wait3A_663 = arith.constant 0 : i32
    %dma_wait3A_664 = tpu.memref_slice %arg6[%dma_wait3A_647, %dma_wait3A_662, %dma_wait3A_663] : memref<5x128x128xf32, #tpu.memory_space<vmem>> -> memref<1x128x128xf32, #tpu.memory_space<vmem>>
    %dma_wait3A_665 = tpu.memref_squeeze %dma_wait3A_664 : memref<1x128x128xf32, #tpu.memory_space<vmem>> -> memref<128x128xf32, #tpu.memory_space<vmem>>
    tpu.wait_dma2 semaphore(%dma_wait3A_658 : memref<!tpu.dma_semaphore, #tpu.memory_space<semaphore_mem>>) src(%dma_wait3A_665 : memref<128x128xf32, #tpu.memory_space<vmem>>) dst(%dma_wait3A_661 : memref<128x128xf32, #tpu.memory_space<hbm>>)
    %dma_wait3A_666 = arith.constant 4 : i32
    %dma_wait3A_667 = arith.constant 49 : i32
    %dma_wait3A_668 = arith.constant 4 : i32
    %dma_wait3A_669 = arith.constant 0 : i32
    %dma_wait3A_670 = arith.constant 0 : i32
    %dma_wait3A_671 = tpu.memref_slice %arg6[%dma_wait3A_666, %dma_wait3A_669, %dma_wait3A_670] : memref<5x128x128xf32, #tpu.memory_space<vmem>> -> memref<1x128x128xf32, #tpu.memory_space<vmem>>
    %dma_wait3A_672 = tpu.memref_squeeze %dma_wait3A_671 : memref<1x128x128xf32, #tpu.memory_space<vmem>> -> memref<128x128xf32, #tpu.memory_space<vmem>>
    %dma_wait3A_673 = arith.constant 0 : i32
    %dma_wait3A_674 = tpu.memref_slice %arg4[%dma_wait3A_667, %mul3A_2, %dma_wait3A_673] : memref<50x4096x128xf32, #tpu.memory_space<hbm>> -> memref<1x128x128xf32, #tpu.memory_space<hbm>>
    %dma_wait3A_675 = tpu.memref_squeeze %dma_wait3A_674 : memref<1x128x128xf32, #tpu.memory_space<hbm>> -> memref<128x128xf32, #tpu.memory_space<hbm>>
    %dma_wait3A_676 = tpu.memref_slice %arg8[%dma_wait3A_668] : memref<5x!tpu.dma_semaphore, #tpu.memory_space<semaphore_mem>> -> memref<1x!tpu.dma_semaphore, #tpu.memory_space<semaphore_mem>>
    %dma_wait3A_677 = tpu.memref_squeeze %dma_wait3A_676 : memref<1x!tpu.dma_semaphore, #tpu.memory_space<semaphore_mem>> -> memref<!tpu.dma_semaphore, #tpu.memory_space<semaphore_mem>>
    %dma_wait3A_678 = arith.constant 0 : i32
    %dma_wait3A_679 = tpu.memref_slice %arg4[%dma_wait3A_667, %mul3A_2, %dma_wait3A_678] : memref<50x4096x128xf32, #tpu.memory_space<hbm>> -> memref<1x128x128xf32, #tpu.memory_space<hbm>>
    %dma_wait3A_680 = tpu.memref_squeeze %dma_wait3A_679 : memref<1x128x128xf32, #tpu.memory_space<hbm>> -> memref<128x128xf32, #tpu.memory_space<hbm>>
    %dma_wait3A_681 = arith.constant 0 : i32
    %dma_wait3A_682 = arith.constant 0 : i32
    %dma_wait3A_683 = tpu.memref_slice %arg6[%dma_wait3A_666, %dma_wait3A_681, %dma_wait3A_682] : memref<5x128x128xf32, #tpu.memory_space<vmem>> -> memref<1x128x128xf32, #tpu.memory_space<vmem>>
    %dma_wait3A_684 = tpu.memref_squeeze %dma_wait3A_683 : memref<1x128x128xf32, #tpu.memory_space<vmem>> -> memref<128x128xf32, #tpu.memory_space<vmem>>
    tpu.wait_dma2 semaphore(%dma_wait3A_677 : memref<!tpu.dma_semaphore, #tpu.memory_space<semaphore_mem>>) src(%dma_wait3A_684 : memref<128x128xf32, #tpu.memory_space<vmem>>) dst(%dma_wait3A_680 : memref<128x128xf32, #tpu.memory_space<hbm>>)
    return
  }
}

</mosaic_0001>

<sc_bundles>
// kernel: _embed.3.cloned.1.call-start
scs
__scs_entry_jumppad:
0x0: {  	(pc) =	sbr.rel $0x88, $3  }
0x1: {  	(tag) =	ssettag $0x0;
	lr =	simm.s32 $0x1  }
0x2: {  	[smem:$0x3F9F] =	sst lr;
	_ =	strace $0xD0000000  }
0x3: {  	_ = 	snop  }
0x4: {  	_ = 	snop  }
0x5: {  	_ = 	snop  }
0x6: {  	_ = 	snop  }
0x7: {  	_ = 	snop  }
__scs_overlays_trampoline_lowered:
0x8: {  	[smem:$0x3FAE] =	sst s0  }
0x9: {  	[smem:$0x3FAF] =	sst s1  }
0xa: {  	[smem:$0x3FB0] =	sst s2  }
0xb: {  	[smem:$0x3FB1] =	sst s3  }
0xc: {  	[smem:$0x3FB2] =	sst s4  }
0xd: {  	[smem:$0x3FB3] =	sst s5  }
0xe: {  	[smem:$0x3FB4] =	sst s6  }
0xf: {  	[smem:$0x3FB5] =	sst s7  }
0x10: {  	[smem:$0x3FB6] =	sst s8  }
0x11: {  	[smem:$0x3FB7] =	sst s9;
	s0 =	simm.s32 @!p0 $0x0  }
0x12: {  	s1 =	sld [smem:$0x3F9D];
	s0 =	simm.s32 @p0 $0x1  }
0x13: {  	[smem:$0x3FB8] =	sst s0;
	s0 =	simm.s32 @!p1 $0x0  }
0x14: {  	s2 =	sld [smem:$0x3F9C];
	s0 =	simm.s32 @p1 $0x1  }
0x15: {  	[smem:$0x3FB9] =	sst s0;
	s0 =	simm.s32 @!p2 $0x0  }
0x16: {  	s3 =	sld [smem:$0x3FDB];
	s0 =	simm.s32 @p2 $0x1  }
0x17: {  	s4 =	simm.s32 $0x1BF5;
	[smem:$0x3FBB] =	sst s0  }
0x18: {  	s0 =	sld [smem:$0x3F9E];
	_ =	swait.ge [sflag:s4], $0x0  }
0x19: {  	s7 =	sld [smem:$0x3F9F]  }
0x1a: {  	s8 =	sadd.s32 $0xFFFFE003, lr  }
0x1b: {  	s9 =	sadd.s32 $0xFFFFFEF7, lr;
	s5 =	simm.s32 $0xFFFFFFFF;
	p2 =	slt.u32 s8, $0xFFFFF086  }
0x1c: {  	p1 =	slt.u32 s9, $0xF7A;
	s5 =	simm.s32 @!p2 $0x0  }
0x1d: {  	s5 =	simm.s32 @p1 $0x1;
	p0 =	seq.s32 s7, s2  }
0x1e: {  	s7 =	smul.u32 @!p0 $0xF7A, s2;
	p2 =	seq.s32 @!p0 s5, $0x0  }
0x1f: {  	s9 =	smul.u32 $0xF7A, s1;
	s8 =	simm.s32 @!p0 $0x1BF5;
	p2 =	por !p2, p0  }
0x20: {  	[sflag:s8] =	ssyncset.s32 @!p0 $0xFFFFF086;
	s6 =	sadd.s32 @!p0 s3, s7;
	s7 =	simm.s32 @!p0 $0x108  }
0x21: {  	s3 =	sadd.s32 s3, s9;
	s6 =	sadd.s32 @!p0 $0x88, s6;
	s7 =	simm.s32 @p2 $0x1082  }
0x22: {  	[simem:s7], [sflag:s8] =	dma.local @!p0 [hbm:s6], $0xF7A  }
0x23: {  	s9 =	sor.u32 $0xD0000000, s2;
	s6 =	simm.s32 $0x108;
	_ =	swait.ge @!p0 [sflag:s8], $0x0  }
0x24: {  	s3 =	sadd.s32 $0x88, s3;
	s6 =	simm.s32 @!p1 $0x1082;
	[sflag:s4] =	ssyncset.s32 $0xFFFFF086  }
0x25: {  	[simem:s6], [sflag:s4] =	dma.local [hbm:s3], $0xF7A  }
0x26: {  	[smem:$0x3F9F] =	sst s1;
	(tag) =	ssettag s2;
	_ =	strace s9  }
0x27: {  	s1 =	sld [smem:$0x3FAF]  }
0x28: {  	s2 =	sld [smem:$0x3FB0]  }
0x29: {  	s4 =	sld [smem:$0x3FB2]  }
0x2a: {  	p0 =	seq.s32 s5, $0x0;
	s5 =	sld [smem:$0x3FB3]  }
0x2b: {  	s6 =	sld [smem:$0x3FB4]  }
0x2c: {  	s7 =	sld [smem:$0x3FB5]  }
0x2d: {  	s3 =	simm.s32 $0x108;
	s8 =	sld [smem:$0x3FB6]  }
0x2e: {  	s3 =	simm.s32 @!p0 $0x1082;
	s9 =	sld [smem:$0x3FB7]  }
0x2f: {  	lr =	sadd.s32 s0, s3;
	s0 =	sld [smem:$0x3FAE]  }
0x30: {  	s3 =	sld [smem:$0x3FB1]  }
0x31: {  	[smem:$0x3FBA] =	sst s10  }
0x32: {  	s10 =	sld [smem:$0x3FB8];
	_ =	sdelay $0x3  }
0x33: {  	p0 =	seq.s32 s10, $0x1;
	s10 =	sld [smem:$0x3FBA];
	_ =	sdelay $0x3  }
0x34: {  	[smem:$0x3FBA] =	sst s10  }
0x35: {  	s10 =	sld [smem:$0x3FB9];
	_ =	sdelay $0x3  }
0x36: {  	p1 =	seq.s32 s10, $0x1;
	s10 =	sld [smem:$0x3FBA];
	_ =	sdelay $0x3  }
0x37: {  	[smem:$0x3FBA] =	sst s10  }
0x38: {  	s10 =	sld [smem:$0x3FBB]  }
0x39: {  	_ = 	snop;
	(pc) =	sbr.ind lr, $3  }
0x3a: {  	_ = 	snop  }
0x3b: {  	_ = 	snop  }
0x3c: {  	p2 =	seq.s32 s10, $0x1;
	s10 =	sld [smem:$0x3FBA]  }
0x3d: {  	_ =	shalt  }
0x3e: {  	_ =	shalt  }
0x3f: {  	_ =	shalt  }
0x40: {  	_ =	shalt  }
0x41: {  	_ =	shalt  }
0x42: {  	_ =	shalt  }
0x43: {  	_ =	shalt  }
0x44: {  	_ =	shalt  }
0x45: {  	_ =	shalt  }
0x46: {  	_ =	shalt  }
0x47: {  	_ =	shalt  }
0x48: {  	_ =	shalt  }
0x49: {  	_ =	shalt  }
0x4a: {  	_ =	shalt  }
0x4b: {  	_ =	shalt  }
0x4c: {  	_ =	shalt  }
0x4d: {  	_ =	shalt  }
0x4e: {  	_ =	shalt  }
0x4f: {  	_ =	shalt  }
0x50: {  	_ =	shalt  }
0x51: {  	_ =	shalt  }
0x52: {  	_ =	shalt  }
0x53: {  	_ =	shalt  }
0x54: {  	_ =	shalt  }
0x55: {  	_ =	shalt  }
0x56: {  	_ =	shalt  }
0x57: {  	_ =	shalt  }
0x58: {  	_ =	shalt  }
0x59: {  	_ =	shalt  }
0x5a: {  	_ =	shalt  }
0x5b: {  	_ =	shalt  }
0x5c: {  	_ =	shalt  }
0x5d: {  	_ =	shalt  }
0x5e: {  	_ =	shalt  }
0x5f: {  	_ =	shalt  }
0x60: {  	_ =	shalt  }
0x61: {  	_ =	shalt  }
0x62: {  	_ =	shalt  }
0x63: {  	_ =	shalt  }
0x64: {  	_ =	shalt  }
0x65: {  	_ =	shalt  }
0x66: {  	_ =	shalt  }
0x67: {  	_ =	shalt  }
0x68: {  	_ =	shalt  }
0x69: {  	_ =	shalt  }
0x6a: {  	_ =	shalt  }
0x6b: {  	_ =	shalt  }
0x6c: {  	_ =	shalt  }
0x6d: {  	_ =	shalt  }
0x6e: {  	_ =	shalt  }
0x6f: {  	_ =	shalt  }
0x70: {  	_ =	shalt  }
0x71: {  	_ =	shalt  }
0x72: {  	_ =	shalt  }
0x73: {  	_ =	shalt  }
0x74: {  	_ =	shalt  }
0x75: {  	_ =	shalt  }
0x76: {  	_ =	shalt  }
0x77: {  	_ =	shalt  }
0x78: {  	_ =	shalt  }
0x79: {  	_ =	shalt  }
0x7a: {  	_ =	shalt  }
0x7b: {  	_ =	shalt  }
0x7c: {  	_ =	shalt  }
0x7d: {  	_ =	shalt  }
0x7e: {  	_ =	shalt  }
0x7f: {  	_ =	shalt  }
0x80: {  	_ =	shalt  }
0x81: {  	_ =	shalt  }
0x82: {  	_ =	shalt  }
0x83: {  	_ =	shalt  }
0x84: {  	_ =	shalt  }
0x85: {  	_ =	shalt  }
0x86: {  	_ =	shalt  }
0x87: {  	_ =	shalt  }
.Lfunc_end0:
.L_simem_size_0:
called_computation_lowered:
.L_overlay_start_0:
0x88: {  	s2 =	sld [smem:$0x3FD9]  }
0x89: {  	s3 =	sld [smem:$0x3FFE];
	_ =	sdelay $0x1  }
0x8a: {  	s1 =	srdreg.scid  }
0x8b: {  	s0 =	sand.u32 $0x1, s1  }
0x8c: {  	s18 =	sshll.u32 s0, $0xA;
	s2 =	sadd.s32 s3, s2  }
0x8d: {  	s2 =	sadd.s32 s2, s18  }
0x8e: {  	[smem:$0x3FC6] =	sst s2  }
0x8f: {  	_ = 	snop  }
0x90: {  	s2 =	sld [smem:$0x3FC9]  }
0x91: {  	s19 =	sld [smem:$0x3FC8]  }
0x92: {  	s4 =	sld [smem:$0x3FD0];
	(tm) =	ssettm $0x1  }
0x93: {  	s5 =	sld [smem:$0x3FFB];
	_ =	sdelay $0x3  }
0x94: {  	_ =	strace s5  }
0x95: {  	s5 =	sld [smem:$0x3FFC];
	_ =	sdelay $0x3  }
0x96: {  	_ =	strace s5  }
0x97: {  	s5 =	sld [smem:$0x3FFD];
	_ =	sdelay $0x3  }
0x98: {  	_ =	strace s5  }
0x99: {  	_ =	strace $0x8FFFFFFF  }
0x9a: {  	s20 =	sld [smem:$0x3FDB];
	_ =	sdelay $0x1  }
0x9b: {  	s6 =	simm.s32 $_scs_section_size  }
0x9c: {  	s7 =	simm.s32 $_size__tile_overlayer_lowered;
	s8 =	simm.s32 $_tile_overlayer_lowered  }
0x9d: {  	s23 =	simm.s32 $0x1BFF;
	s22 =	sshll.u32 s8, $0x1;
	s5 =	sadd.s32 s6, s20  }
0x9e: {  	s9 =	simm.s32 $0x0;
	s21 =	sshll.u32 s7, $0x1;
	s7 =	sadd.s32 s22, s5  }
0x9f: {  	[timem:s9], [sflag:s23] =	dma.local [hbm:s7], s21  }
0xa0: {  	_ =	swait.ge [sflag:s23], s21  }
0xa1: {  	s6 =	ssub.s32 $0x0, s21;
	[sflag:s23] =	ssyncset.done $0x0  }
0xa2: {  	[sflag:s23] =	ssyncadd.s32 s6;
	_ =	sdelay $0x1  }
0xa3: {  	s24 =	simm.s32 $0x1B8B  }
0xa4: {  	_ =	swait.ge [sflag:s24], $0x1  }
0xa5: {  	[sflag:s24] =	ssyncset.done $0x0  }
0xa6: {  	s25 =	simm.s32 $0x1B8E;
	[sflag:s24] =	ssyncadd.s32 $0xFFFFFFFF  }
0xa7: {  	s26 =	simm.s32 $execute0_lowered;
	[smem:$0x3FD2] =	sst s25  }
0xa8: {  	s6 =	sshll.u32 s26, $0x1;
	_ =	strace $0x80000046;
	[dreg:$0x1] =	wrdreg $0xFFFFFFFF  }
0xa9: {  	s28 =	simm.s32 $_size_execute0_lowered;
	s5 =	sadd.s32 s5, s6;
	[dreg:$0x0] =	wrdreg $0x0  }
0xaa: {  	s6 =	sshll.u32 s28, $0x1;
	[dreg:$0x2] =	wrdreg s5  }
0xab: {  	[dreg:$0x3] =	wrdreg s6  }
0xac: {  	[dreg:$0x4] =	wrdreg $0xC0  }
0xad: {  	_ =	task [dreg:s9], $0x5FFFF  }
0xae: {  	[dreg:$0x1] =	wrdreg $0xFFFFFFFF  }
0xaf: {  	[dreg:$0x0] =	wrdreg $0x60  }
0xb0: {  	[dreg:$0x2] =	wrdreg s2  }
0xb1: {  	[dreg:$0x3] =	wrdreg s19  }
0xb2: {  	[dreg:$0x4] =	wrdreg s4  }
0xb3: {  	[dreg:$0x5] =	wrdreg $0x9  }
0xb4: {  	_ =	task.clear_ibuf [dreg:s9], $0x6FFFF;
	_ =	strace $0x90000046  }
0xb5: {  	s29 =	simm.s32 $0x9;
	_ =	strace $0x80000048  }
0xb6: {  	_ =	swait.ge [sflag:s29], $0x1  }
0xb7: {  	[sflag:s29] =	ssyncadd.s32 $0xFFFFFFFF  }
0xb8: {  	_ =	strace $0x90000048  }
0xb9: {  	_ =	sfence  }
0xba: {  	s30 =	sld [smem:$0x0];
	_ =	sdelay $0x2  }
0xbb: {  	s31 =	sshll.u32 s1, $0xD;
	s1 =	sshrl.u32 s1, $0x2  }
0xbc: {  	s3 =	sand.u32 $0x4000, s31;
	s1 =	sadd.s32 s1, s30  }
0xbd: {  	s0 =	sor.u32 s3, s0;
	s1 =	sshll.u32 s1, $0x11  }
0xbe: {  	s0 =	sor.u32 s1, s0  }
0xbf: {  	s0 =	sadd.s32 $0x8F2B, s0  }
0xc0: {  	[sflag:s0] =	ssyncadd.remote.s32 $0x1  }
0xc1: {  	_ =	sfence.sel $0xFFFF  }
0xc2: {  	[dreg:$0x0] =	wrdreg $0xFFFFFFFF;
	(pc) =	sbr.abs _section_cstart, $3  }
0xc3: {  	[dreg:$0x1] =	wrdreg $0xFFFFFFFF  }
0xc4: {  	_ =	task.clear_ibuf [dreg:s9], $0x2FFFF;
	_ =	strace $0x9FFFFFFF  }
0xc5: {  	(tm) =	ssettm $0x7FFFFFFF  }
tec
execute0_lowered:
.L_overlay_start_1:
0x0: {  	(tag) =	ssettag $0x1  }
0x1: {  	s0 =	rddreg [dreg:$0x0]  }
0x2: {  	s1 =	rddreg [dreg:$0x1]  }
0x3: {  	s3 =	rddreg [dreg:$0x2];
	s2 =	srdreg.scid;
	s4 =	simm.s32 $0x0  }
0x4: {  	s8 =	stileid.u32;
	s28 =	simm.s32 $0x80;
	s2 =	sand.u32 $0x1, s2  }
0x5: {  	s29 =	simm.s32 $0x1C00;
	s5 =	sshll.u32 s8, $0x8;
	s6 =	sshll.u32 s2, $0x7  }
0x6: {  	[smem:$0x7FF] =	sst s4;
	s7 =	ssub.s32 $0x2, s2;
	s5 =	sor.u32 s6, s5  }
0x7: {  	_ =	strace $0x80000047;
	s26 =	sshrl.u32 s7, $0x1;
	s9 =	sadd.s32 s0, s5  }
0x8: {  	s10 =	sshll.u32 s5, $0x4;
	[dreg:$0x4] =	wrdreg s9;
	s12 =	sadd.s32 $0x6000, s9  }
0x9: {  	s11 =	ssub.s32 s7, s26;
	s13 =	sadd.s32 s3, s10;
	[dreg:$0x5] =	wrdreg s12  }
0xa: {  	s30 =	simm.s32 $0x5C00;
	s5 =	smax.u32 s11, $0x1;
	[dreg:$0x6] =	wrdreg s13  }
0xb: {  	s31 =	simm.s32 $0x2;
	s0 =	sadd.s32 $0x10000, s13;
	[dreg:$0x10] =	wrdreg s5  }
0xc: {  	s17 =	sshll.u32 s8, $0xF;
	s14 =	sadd.s32 $0x20000, s13;
	[dreg:$0x7] =	wrdreg s0  }
0xd: {  	s8 =	simm.s32 $0x3;
	s15 =	sadd.s32 $0x30000, s13;
	[dreg:$0x8] =	wrdreg s14  }
0xe: {  	s2 =	sshll.u32 s2, $0xE;
	s16 =	sadd.s32 $0x40000, s13;
	[dreg:$0x9] =	wrdreg s15  }
0xf: {  	s9 =	simm.s32 $0x7;
	s18 =	sadd.s32 $0x2D0000, s13;
	[dreg:$0xa] =	wrdreg s16  }
0x10: {  	s10 =	simm.s32 $0x4;
	s19 =	sadd.s32 $0x2E0000, s13;
	[dreg:$0xb] =	wrdreg s18  }
0x11: {  	s11 =	simm.s32 $0x8;
	s20 =	sadd.s32 $0x2F0000, s13;
	[dreg:$0xc] =	wrdreg s19  }
0x12: {  	s21 =	sadd.s32 $0x300000, s13;
	s6 =	sadd.s32 $0x310000, s13;
	[dreg:$0xd] =	wrdreg s20  }
0x13: {  	s12 =	simm.s32 $0x9;
	s13 =	simm.s32 $0xA;
	[dreg:$0xe] =	wrdreg s21  }
0x14: {  	s0 =	sor.u32 s2, s17;
	[dreg:$0xf] =	wrdreg s6;
	s6 =	simm.s32 $0x6  }
0x15: {  	s14 =	simm.s32 $0x0;
	s22 =	sor.u32 $0x400000, s0;
	s23 =	sor.u32 $0x380000, s0  }
0x16: {  	s24 =	sor.u32 $0x300000, s0;
	s25 =	sor.u32 $0x480000, s0;
	s21 =	sor.u32 $0x280000, s0  }
0x17: {  	s0 =	simm.s32 $0x9C00;
	s2 =	sshrl.u32 s22, $0x3;
	s5 =	sshrl.u32 s24, $0x3  }
0x18: {  	s26 =	sshrl.u32 s25, $0x3;
	s24 =	simm.s32 $0xDC00;
	s2 =	sadd.s32 s2, s3  }
0x19: {  	s25 =	simm.s32 $0x1;
	[dreg:$0x11] =	wrdreg s2;
	s2 =	sshrl.u32 s23, $0x3  }
0x1a: {  	s20 =	sadd.s32 s5, s3;
	s22 =	sadd.s32 s26, s3;
	s2 =	sadd.s32 s2, s3  }
0x1b: {  	s5 =	simm.s32 $0x5;
	[dreg:$0x12] =	wrdreg s2;
	s2 =	simm.s32 $0x11C00  }
.LBB2_1:
0x1c: {  	s7 =	rddreg [dreg:$0x4];
	s15 =	simm.s32 $0x400;
	s16 =	simm.s32 $0x8000  }
0x1d: {  	[tilespmem:s4], [sflag:$0xB] =	stream.strided.gather [hbm4b:s7+s15], $0x1800, s16, s15, $0x38;
	[tilespmem:$0x15C00] =	vst v63  }
0x1e: {  	s23 =	rddreg [dreg:$0x5];
	s26 =	simm.s32 $0x1800;
	s17 =	simm.s32 $0xB  }
0x1f: {  	[tilespmem:s26], [sflag:$0xB] =	stream.linear.gather [hbm4b:s23+s4], $0x100, $0x38;
	[tilespmem:$0x15C00] =	vst v63  }
0x20: {  	_ =	swait.ge [sflag:s17], $0x1900  }
0x21: {  	[sflag:s17] =	ssyncset.done $0x0  }
0x22: {  	[sflag:s17] =	ssyncadd.s32 $0xFFFFE700  }
0x23: {  	[tilespmem:s29], [sflag:$0x1] =	stream.indirect.gather [hbm4b:s1+s28], $0x80, s4, s28, $0xb8;
	[tilespmem:$0x15C00] =	vst v63  }
0x24: {  	_ = 	snop  }
0x25: {  	[tilespmem:s30], [sflag:$0x2] =	stream.indirect.gather [hbm4b:s1+s28], $0x80, s28, s28, $0xb8;
	[tilespmem:$0x15C00] =	vst v63  }
0x26: {  	s18 =	simm.s32 $0x100  }
0x27: {  	[tilespmem:s0], [sflag:$0x3] =	stream.indirect.gather [hbm4b:s1+s28], $0x80, s18, s28, $0xb8;
	[tilespmem:$0x15C00] =	vst v63  }
0x28: {  	s19 =	simm.s32 $0x180  }
0x29: {  	[tilespmem:s24], [sflag:$0x4] =	stream.indirect.gather [hbm4b:s1+s28], $0x80, s19, s28, $0xb8;
	[tilespmem:$0x15C00] =	vst v63  }
0x2a: {  	_ =	swait.ge [sflag:s25], $0x4000  }
0x2b: {  	[sflag:s25] =	ssyncset.done $0x0  }
0x2c: {  	s23 =	rddreg [dreg:$0x6];
	[sflag:s25] =	ssyncadd.s32 $0xFFFFC000  }
0x2d: {  	[hbm4b:s23+s4] =	stream.linear.scatter [tilespmem:s29], [sflag:$0x6], $0x4000, $0x38;
	[tilespmem:$0x15C00] =	vst v63  }
0x2e: {  	s26 =	simm.s32 $0x200  }
0x2f: {  	[tilespmem:s2], [sflag:$0x5] =	stream.indirect.gather [hbm4b:s1+s28], $0x80, s26, s28, $0xb8;
	[tilespmem:$0x15C00] =	vst v63  }
0x30: {  	_ =	swait.ge [sflag:s31], $0x4000  }
0x31: {  	[sflag:s31] =	ssyncset.done $0x0  }
0x32: {  	s16 =	rddreg [dreg:$0x7];
	[sflag:s31] =	ssyncadd.s32 $0xFFFFC000  }
0x33: {  	[hbm4b:s16+s4] =	stream.linear.scatter [tilespmem:s30], [sflag:$0x7], $0x4000, $0x38;
	[tilespmem:$0x15C00] =	vst v63  }
0x34: {  	_ =	swait.ge [sflag:s6], $0x4000  }
0x35: {  	[sflag:s6] =	ssyncset.done $0x0  }
0x36: {  	s17 =	simm.s32 $0x280;
	[sflag:s6] =	ssyncadd.s32 $0xFFFFC000  }
0x37: {  	[tilespmem:s29], [sflag:$0x1] =	stream.indirect.gather [hbm4b:s1+s28], $0x80, s17, s28, $0xb8;
	[tilespmem:$0x15C00] =	vst v63  }
0x38: {  	_ =	swait.ge [sflag:s8], $0x4000  }
0x39: {  	[sflag:s8] =	ssyncset.done $0x0  }
0x3a: {  	s18 =	rddreg [dreg:$0x8];
	[sflag:s8] =	ssyncadd.s32 $0xFFFFC000  }
0x3b: {  	[hbm4b:s18+s4] =	stream.linear.scatter [tilespmem:s0], [sflag:$0x8], $0x4000, $0x38;
	[tilespmem:$0x15C00] =	vst v63  }
0x3c: {  	_ =	swait.ge [sflag:s9], $0x4000  }
0x3d: {  	[sflag:s9] =	ssyncset.done $0x0  }
0x3e: {  	s19 =	simm.s32 $0x300;
	[sflag:s9] =	ssyncadd.s32 $0xFFFFC000  }
0x3f: {  	[tilespmem:s30], [sflag:$0x2] =	stream.indirect.gather [hbm4b:s1+s28], $0x80, s19, s28, $0xb8;
	[tilespmem:$0x15C00] =	vst v63  }
0x40: {  	_ =	swait.ge [sflag:s10], $0x4000  }
0x41: {  	[sflag:s10] =	ssyncset.done $0x0  }
0x42: {  	s23 =	rddreg [dreg:$0x9];
	[sflag:s10] =	ssyncadd.s32 $0xFFFFC000  }
0x43: {  	[hbm4b:s23+s4] =	stream.linear.scatter [tilespmem:s24], [sflag:$0x9], $0x4000, $0x38;
	[tilespmem:$0x15C00] =	vst v63  }
0x44: {  	_ =	swait.ge [sflag:s11], $0x4000  }
0x45: {  	[sflag:s11] =	ssyncset.done $0x0  }
0x46: {  	s26 =	simm.s32 $0x380;
	[sflag:s11] =	ssyncadd.s32 $0xFFFFC000  }
0x47: {  	[tilespmem:s0], [sflag:$0x3] =	stream.indirect.gather [hbm4b:s1+s28], $0x80, s26, s28, $0xb8;
	[tilespmem:$0x15C00] =	vst v63  }
0x48: {  	_ =	swait.ge [sflag:s5], $0x4000  }
0x49: {  	[sflag:s5] =	ssyncset.done $0x0  }
0x4a: {  	s16 =	rddreg [dreg:$0xa];
	[sflag:s5] =	ssyncadd.s32 $0xFFFFC000  }
0x4b: {  	[hbm4b:s16+s4] =	stream.linear.scatter [tilespmem:s2], [sflag:$0xA], $0x4000, $0x38;
	[tilespmem:$0x15C00] =	vst v63  }
0x4c: {  	_ =	swait.ge [sflag:s12], $0x4000  }
0x4d: {  	[sflag:s12] =	ssyncset.done $0x0  }
0x4e: {  	[sflag:s12] =	ssyncadd.s32 $0xFFFFC000  }
0x4f: {  	[tilespmem:s24], [sflag:$0x4] =	stream.indirect.gather [hbm4b:s1+s28], $0x80, s15, s28, $0xb8;
	[tilespmem:$0x15C00] =	vst v63  }
0x50: {  	_ =	swait.ge [sflag:s25], $0x4000  }
0x51: {  	s17 =	sshrl.u32 s21, $0x3;
	[sflag:s25] =	ssyncset.done $0x0  }
0x52: {  	s7 =	sadd.s32 s3, s17;
	[sflag:s25] =	ssyncadd.s32 $0xFFFFC000  }
0x53: {  	[hbm4b:s7+s4] =	stream.linear.scatter [tilespmem:s29], [sflag:$0x6], $0x4000, $0x38;
	[tilespmem:$0x15C00] =	vst v63  }
0x54: {  	_ =	swait.ge [sflag:s13], $0x4000  }
0x55: {  	[sflag:s13] =	ssyncset.done $0x0  }
0x56: {  	s18 =	simm.s32 $0x480;
	[sflag:s13] =	ssyncadd.s32 $0xFFFFC000  }
0x57: {  	[tilespmem:s2], [sflag:$0x5] =	stream.indirect.gather [hbm4b:s1+s28], $0x80, s18, s28, $0xb8;
	[tilespmem:$0x15C00] =	vst v63  }
0x58: {  	_ =	swait.ge [sflag:s31], $0x4000  }
0x59: {  	[sflag:s31] =	ssyncset.done $0x0  }
0x5a: {  	[sflag:s31] =	ssyncadd.s32 $0xFFFFC000  }
0x5b: {  	[hbm4b:s20+s4] =	stream.linear.scatter [tilespmem:s30], [sflag:$0x7], $0x4000, $0x38;
	[tilespmem:$0x15C00] =	vst v63  }
0x5c: {  	_ =	swait.ge [sflag:s6], $0x4000  }
0x5d: {  	[sflag:s6] =	ssyncset.done $0x0  }
0x5e: {  	s19 =	simm.s32 $0x500;
	[sflag:s6] =	ssyncadd.s32 $0xFFFFC000  }
0x5f: {  	[tilespmem:s29], [sflag:$0x1] =	stream.indirect.gather [hbm4b:s1+s28], $0x80, s19, s28, $0xb8;
	[tilespmem:$0x15C00] =	vst v63  }
0x60: {  	_ =	swait.ge [sflag:s8], $0x4000  }
0x61: {  	[sflag:s8] =	ssyncset.done $0x0  }
0x62: {  	s18 =	rddreg [dreg:$0x12];
	[sflag:s8] =	ssyncadd.s32 $0xFFFFC000  }
0x63: {  	[hbm4b:s18+s4] =	stream.linear.scatter [tilespmem:s0], [sflag:$0x8], $0x4000, $0x38;
	[tilespmem:$0x15C00] =	vst v63  }
0x64: {  	_ =	swait.ge [sflag:s9], $0x4000  }
0x65: {  	[sflag:s9] =	ssyncset.done $0x0  }
0x66: {  	s23 =	simm.s32 $0x580;
	[sflag:s9] =	ssyncadd.s32 $0xFFFFC000  }
0x67: {  	[tilespmem:s30], [sflag:$0x2] =	stream.indirect.gather [hbm4b:s1+s28], $0x80, s23, s28, $0xb8;
	[tilespmem:$0x15C00] =	vst v63  }
0x68: {  	_ =	swait.ge [sflag:s10], $0x4000  }
0x69: {  	[sflag:s10] =	ssyncset.done $0x0  }
0x6a: {  	s19 =	rddreg [dreg:$0x11];
	[sflag:s10] =	ssyncadd.s32 $0xFFFFC000  }
0x6b: {  	[hbm4b:s19+s4] =	stream.linear.scatter [tilespmem:s24], [sflag:$0x9], $0x4000, $0x38;
	[tilespmem:$0x15C00] =	vst v63  }
0x6c: {  	_ =	swait.ge [sflag:s11], $0x4000  }
0x6d: {  	[sflag:s11] =	ssyncset.done $0x0  }
0x6e: {  	s26 =	simm.s32 $0x600;
	[sflag:s11] =	ssyncadd.s32 $0xFFFFC000  }
0x6f: {  	[tilespmem:s0], [sflag:$0x3] =	stream.indirect.gather [hbm4b:s1+s28], $0x80, s26, s28, $0xb8;
	[tilespmem:$0x15C00] =	vst v63  }
0x70: {  	_ =	swait.ge [sflag:s5], $0x4000  }
0x71: {  	[sflag:s5] =	ssyncset.done $0x0  }
0x72: {  	s17 =	sadd.s32 $0x50000, s22;
	[sflag:s5] =	ssyncadd.s32 $0xFFFFC000  }
0x73: {  	[hbm4b:s22+s4] =	stream.linear.scatter [tilespmem:s2], [sflag:$0xA], $0x4000, $0x38;
	[tilespmem:$0x15C00] =	vst v63  }
0x74: {  	s16 =	sadd.s32 $0x280000, s21;
	s15 =	simm.s32 $0xA00;
	_ =	swait.ge [sflag:s12], $0x4000  }
0x75: {  	s7 =	sadd.s32 $0x50000, s20;
	s23 =	sadd.s32 $0x50000, s18;
	[sflag:s12] =	ssyncset.done $0x0  }
0x76: {  	s18 =	simm.s32 $0x680;
	s26 =	sadd.s32 $0x50000, s19;
	[sflag:s12] =	ssyncadd.s32 $0xFFFFC000  }
.LBB2_2:
0x77: {  	[tilespmem:s24], [sflag:$0x4] =	stream.indirect.gather [hbm4b:s1+s28], $0x80, s18, s28, $0xb8;
	[tilespmem:$0x15C00] =	vst v63  }
0x78: {  	s18 =	smov.u32 s15  }
0x79: {  	p0 =	sne.s32 s15, $0x4600;
	s15 =	sadd.s32 $0xA00, s15;
	_ =	swait.ge [sflag:s25], $0x4000  }
0x7a: {  	s19 =	sshrl.u32 s16, $0x3;
	[sflag:s25] =	ssyncset.done $0x0  }
0x7b: {  	s19 =	sadd.s32 s3, s19;
	[sflag:s25] =	ssyncadd.s32 $0xFFFFC000  }
0x7c: {  	[hbm4b:s19+s4] =	stream.linear.scatter [tilespmem:s29], [sflag:$0x6], $0x4000, $0x38;
	[tilespmem:$0x15C00] =	vst v63  }
0x7d: {  	_ =	swait.ge [sflag:s13], $0x4000  }
0x7e: {  	s18 =	sshra.s32 s18, $0x2;
	[sflag:s13] =	ssyncset.done $0x0  }
0x7f: {  	s19 =	sadd.s32 $0x480, s18;
	[sflag:s13] =	ssyncadd.s32 $0xFFFFC000  }
0x80: {  	[tilespmem:s2], [sflag:$0x5] =	stream.indirect.gather [hbm4b:s1+s28], $0x80, s19, s28, $0xb8;
	[tilespmem:$0x15C00] =	vst v63  }
0x81: {  	_ =	swait.ge [sflag:s31], $0x4000  }
0x82: {  	[sflag:s31] =	ssyncset.done $0x0  }
0x83: {  	[sflag:s31] =	ssyncadd.s32 $0xFFFFC000  }
0x84: {  	[hbm4b:s7+s4] =	stream.linear.scatter [tilespmem:s30], [sflag:$0x7], $0x4000, $0x38;
	[tilespmem:$0x15C00] =	vst v63  }
0x85: {  	_ =	swait.ge [sflag:s6], $0x4000  }
0x86: {  	[sflag:s6] =	ssyncset.done $0x0  }
0x87: {  	s19 =	sadd.s32 $0x500, s18;
	[sflag:s6] =	ssyncadd.s32 $0xFFFFC000  }
0x88: {  	[tilespmem:s29], [sflag:$0x1] =	stream.indirect.gather [hbm4b:s1+s28], $0x80, s19, s28, $0xb8;
	[tilespmem:$0x15C00] =	vst v63  }
0x89: {  	_ =	swait.ge [sflag:s8], $0x4000  }
0x8a: {  	[sflag:s8] =	ssyncset.done $0x0  }
0x8b: {  	[sflag:s8] =	ssyncadd.s32 $0xFFFFC000  }
0x8c: {  	[hbm4b:s23+s4] =	stream.linear.scatter [tilespmem:s0], [sflag:$0x8], $0x4000, $0x38;
	[tilespmem:$0x15C00] =	vst v63  }
0x8d: {  	_ =	swait.ge [sflag:s9], $0x4000  }
0x8e: {  	[sflag:s9] =	ssyncset.done $0x0  }
0x8f: {  	s19 =	sadd.s32 $0x580, s18;
	[sflag:s9] =	ssyncadd.s32 $0xFFFFC000  }
0x90: {  	[tilespmem:s30], [sflag:$0x2] =	stream.indirect.gather [hbm4b:s1+s28], $0x80, s19, s28, $0xb8;
	[tilespmem:$0x15C00] =	vst v63  }
0x91: {  	_ =	swait.ge [sflag:s10], $0x4000  }
0x92: {  	[sflag:s10] =	ssyncset.done $0x0  }
0x93: {  	[sflag:s10] =	ssyncadd.s32 $0xFFFFC000  }
0x94: {  	[hbm4b:s26+s4] =	stream.linear.scatter [tilespmem:s24], [sflag:$0x9], $0x4000, $0x38;
	[tilespmem:$0x15C00] =	vst v63  }
0x95: {  	_ =	swait.ge [sflag:s11], $0x4000  }
0x96: {  	[sflag:s11] =	ssyncset.done $0x0  }
0x97: {  	s19 =	sadd.s32 $0x600, s18;
	[sflag:s11] =	ssyncadd.s32 $0xFFFFC000  }
0x98: {  	[tilespmem:s0], [sflag:$0x3] =	stream.indirect.gather [hbm4b:s1+s28], $0x80, s19, s28, $0xb8;
	[tilespmem:$0x15C00] =	vst v63  }
0x99: {  	_ =	swait.ge [sflag:s5], $0x4000  }
0x9a: {  	[sflag:s5] =	ssyncset.done $0x0  }
.Ltmp0:
0x9b: {  	[sflag:s5] =	ssyncadd.s32 $0xFFFFC000;
	(pc) =	sbr.rel @p0 .LBB2_2-.Ltmp0, $4  }
0x9c: {  	[hbm4b:s17+s4] =	stream.linear.scatter [tilespmem:s2], [sflag:$0xA], $0x4000, $0x38;
	[tilespmem:$0x15C00] =	vst v63  }
0x9d: {  	s16 =	sadd.s32 $0x280000, s16;
	s17 =	sadd.s32 $0x50000, s17;
	_ =	swait.ge [sflag:s12], $0x4000  }
0x9e: {  	s7 =	sadd.s32 $0x50000, s7;
	s23 =	sadd.s32 $0x50000, s23;
	[sflag:s12] =	ssyncset.done $0x0  }
0x9f: {  	s18 =	sadd.s32 $0x680, s18;
	s26 =	sadd.s32 $0x50000, s26;
	[sflag:s12] =	ssyncadd.s32 $0xFFFFC000  }
0xa0: {  	[tilespmem:s24], [sflag:$0x4] =	stream.indirect.gather [hbm4b:s1+s28], $0x80, s18, s28, $0xb8;
	[tilespmem:$0x15C00] =	vst v63  }
0xa1: {  	_ =	swait.ge [sflag:s25], $0x4000  }
0xa2: {  	[sflag:s25] =	ssyncset.done $0x0  }
0xa3: {  	s7 =	rddreg [dreg:$0xb];
	[sflag:s25] =	ssyncadd.s32 $0xFFFFC000  }
0xa4: {  	[hbm4b:s7+s4] =	stream.linear.scatter [tilespmem:s29], [sflag:$0x6], $0x4000, $0x38;
	[tilespmem:$0x15C00] =	vst v63  }
0xa5: {  	_ =	swait.ge [sflag:s13], $0x4000  }
0xa6: {  	[sflag:s13] =	ssyncset.done $0x0  }
0xa7: {  	s16 =	simm.s32 $0x1880;
	[sflag:s13] =	ssyncadd.s32 $0xFFFFC000  }
0xa8: {  	[tilespmem:s2], [sflag:$0x5] =	stream.indirect.gather [hbm4b:s1+s28], $0x80, s16, s28, $0xb8;
	[tilespmem:$0x15C00] =	vst v63  }
0xa9: {  	_ =	swait.ge [sflag:s31], $0x4000  }
0xaa: {  	[sflag:s31] =	ssyncset.done $0x0  }
0xab: {  	s17 =	rddreg [dreg:$0xc];
	[sflag:s31] =	ssyncadd.s32 $0xFFFFC000  }
0xac: {  	[hbm4b:s17+s4] =	stream.linear.scatter [tilespmem:s30], [sflag:$0x7], $0x4000, $0x38;
	[tilespmem:$0x15C00] =	vst v63  }
0xad: {  	_ =	swait.ge [sflag:s8], $0x4000  }
0xae: {  	[sflag:s8] =	ssyncset.done $0x0  }
0xaf: {  	s18 =	rddreg [dreg:$0xd];
	[sflag:s8] =	ssyncadd.s32 $0xFFFFC000  }
0xb0: {  	[hbm4b:s18+s4] =	stream.linear.scatter [tilespmem:s0], [sflag:$0x8], $0x4000, $0x38;
	[tilespmem:$0x15C00] =	vst v63  }
0xb1: {  	_ =	swait.ge [sflag:s10], $0x4000  }
0xb2: {  	[sflag:s10] =	ssyncset.done $0x0  }
0xb3: {  	s19 =	rddreg [dreg:$0xe];
	[sflag:s10] =	ssyncadd.s32 $0xFFFFC000  }
0xb4: {  	[hbm4b:s19+s4] =	stream.linear.scatter [tilespmem:s24], [sflag:$0x9], $0x4000, $0x38;
	[tilespmem:$0x15C00] =	vst v63  }
0xb5: {  	_ =	swait.ge [sflag:s5], $0x4000  }
0xb6: {  	[sflag:s5] =	ssyncset.done $0x0  }
0xb7: {  	s23 =	rddreg [dreg:$0xf];
	[sflag:s5] =	ssyncadd.s32 $0xFFFFC000  }
0xb8: {  	[hbm4b:s23+s4] =	stream.linear.scatter [tilespmem:s2], [sflag:$0xA], $0x4000, $0x38;
	[tilespmem:$0x15C00] =	vst v63  }
0xb9: {  	_ =	swait.ge [sflag:s6], $0x4000  }
0xba: {  	[sflag:s6] =	ssyncset.done $0x0  }
0xbb: {  	[sflag:s6] =	ssyncadd.s32 $0xFFFFC000  }
0xbc: {  	_ =	swait.ge [sflag:s9], $0x4000  }
0xbd: {  	[sflag:s9] =	ssyncset.done $0x0  }
0xbe: {  	[sflag:s9] =	ssyncadd.s32 $0xFFFFC000  }
0xbf: {  	_ =	swait.ge [sflag:s11], $0x4000  }
0xc0: {  	[sflag:s11] =	ssyncset.done $0x0  }
0xc1: {  	[sflag:s11] =	ssyncadd.s32 $0xFFFFC000  }
0xc2: {  	_ =	swait.ge [sflag:s12], $0x4000  }
0xc3: {  	[sflag:s12] =	ssyncset.done $0x0  }
0xc4: {  	[sflag:s12] =	ssyncadd.s32 $0xFFFFC000  }
0xc5: {  	_ =	swait.ge [sflag:s13], $0x4000  }
0xc6: {  	s14 =	sadd.s32 $0x1, s14;
	s26 =	rddreg [dreg:$0x10]  }
0xc7: {  	p0 =	sne.s32 s14, s26  }
.Ltmp1:
0xc8: {  	_ = 	snop;
	(pc) =	sbr.rel @p0 .LBB2_1-.Ltmp1, $3  }
0xc9: {  	_ =	sdelay $0x1  }
0xca: {  	[sflag:s13] =	ssyncset.done $0x0  }
0xcb: {  	[sflag:s13] =	ssyncadd.s32 $0xFFFFC000  }
0xcc: {  	_ =	sfence.sel $0x180000  }
0xcd: {  	[bflag:$0x0] =	sbarrier.arrive $0xFFFF  }
0xce: {  	_ =	strace $0x90000047  }
0xcf: {  	s0 =	stileid.u32;
	[bflag:$0x2] =	sbarrier.arrive $0xFFFF  }
0xd0: {  	p0 =	sne.s32 s0, $0x0;
	s0 =	rddreg [dreg:$0x3]  }
0xd1: {  	s0 =	sadd.s32 @!p0 $0x100000, s0  }
0xd2: {  	[sflag:s0] =	ssyncadd.tile.s32 @!p0 $0x1;
	_ =	shalt  }
.Lfunc_end2:
_tile_overlayer_lowered:
.L_overlay_start_2:
0xd3: {  	(tag) =	ssettag $0x2  }
0xd4: {  	s0 =	rddreg [dreg:$0x0];
	s2 =	stileid.u32  }
0xd5: {  	s1 =	rddreg [dreg:$0x1];
	p0 =	sne.s32 s2, $0x0  }
0xd6: {  	s3 =	rddreg [dreg:$0x2];
	[bflag:$0x3] =	sbarrier.arrive $0xFFFF;
	s2 =	simm.s32 @!p0 $0x1C0B  }
0xd7: {  	[timem:s3], [sflag:s2] =	dma.local @!p0 [hbm:s0], s1  }
0xd8: {  	s0 =	simm.s32 @!p0 $0xB  }
0xd9: {  	_ =	swait.ge @!p0 [sflag:s0], s1  }
0xda: {  	s1 =	ssub.s32 @!p0 $0x0, s1;
	[sflag:s0] =	ssyncset.done @!p0 $0x0  }
0xdb: {  	[sflag:s0] =	ssyncadd.s32 @!p0 s1  }
0xdc: {  	[bflag:$0x3] =	sbarrier.arrive $0xFFFF  }
0xdd: {  	_ =	shalt  }

</sc_bundles>
